<compile_context>
chip_gen: v7x
topology: tpu7x:2x2x1
jax: 0.10.2.dev20260603
libtpu: 0.0.44.dev20260713+nightly
codegen_flags: <defaults>
</compile_context>

<pallas_src>
import functools

import jax
import jax.numpy as jnp
from jax import lax
from jax.experimental import pallas as pl
from jax.experimental.pallas import tpu as pltpu
from jax.experimental.pallas import tpu_sc as plsc

B = 16384
HIDDEN = 256
EMBED = 128
WPR = EMBED // 2

SEG_OFF = (0, 288, 560)
F_ROWS = 832

NC = 2
NS = 16
LANES = 16
NW = NC * NS
BPW = B // NW
OCH = 128
NCHUNK = BPW // OCH


def _pack_words(p):
    ph = p.astype(jnp.bfloat16)
    lo = lax.convert_element_type(
        lax.bitcast_convert_type(ph[:, 0:WPR], jnp.uint16), jnp.uint32)
    hi = lax.convert_element_type(
        lax.bitcast_convert_type(ph[:, WPR:EMBED], jnp.uint16), jnp.uint32)
    return lax.bitcast_convert_type(lo | (hi << 16), jnp.int32)


def _fuse_tables_kernel(dep_ref, sid_ref, eid_ref, w1_ref, b1_ref, f_ref):
    f_ref[0:288, :] = _pack_words(
        jnp.dot(dep_ref[:], w1_ref[0:256, :],
                preferred_element_type=jnp.float32) + b1_ref[:])
    f_ref[288:545, :] = _pack_words(jnp.dot(
        sid_ref[:], w1_ref[256:512, :], preferred_element_type=jnp.float32))
    f_ref[560:817, :] = _pack_words(jnp.dot(
        eid_ref[:], w1_ref[512:768, :], preferred_element_type=jnp.float32))


def _sc_embed_sum(f_hbm, idx_hbm, out_hbm,
                  f_v, f_sh, idx0, idx1, idx2, oa, ob,
                  fsem, osem_a, osem_b):
    sid = lax.axis_index("s")
    wid = sid * NC + lax.axis_index("c")
    base = wid * BPW
    @pl.when(sid == 0)
    def _():
        pltpu.sync_copy(f_hbm, f_sh)
    pltpu.sync_copy(idx_hbm.at[pl.ds(0 * B + base, BPW)], idx0)
    pltpu.sync_copy(idx_hbm.at[pl.ds(1 * B + base, BPW)], idx1)
    pltpu.sync_copy(idx_hbm.at[pl.ds(2 * B + base, BPW)], idx2)
    plsc.subcore_barrier()
    pltpu.sync_copy(f_sh, f_v)

    obufs = ((oa, osem_a), (ob, osem_b))
    out_cps = [None, None]
    for c in range(NCHUNK):
        obuf, osem = obufs[c % 2]
        if out_cps[c % 2] is not None:
            out_cps[c % 2].wait()

        def group_body(g, _):
            s = c * OCH + g * LANES
            lanev = lax.iota(jnp.int32, LANES)
            kv0 = idx0[pl.ds(s, LANES)]
            kv1 = idx1[pl.ds(s, LANES)]
            kv2 = idx2[pl.ds(s, LANES)]
            rowv = lanev * EMBED + g * (LANES * EMBED)

            @plsc.parallel_loop(0, WPR, step=1, unroll=4)
            def col_body(w, ):
                cvec = (w + lanev) & (WPR - 1)
                v = (plsc.bitcast(plsc.load_gather(f_v, [kv0 + cvec]),
                                  jnp.bfloat16)
                     + plsc.bitcast(plsc.load_gather(f_v, [kv1 + cvec]),
                                    jnp.bfloat16)
                     + plsc.bitcast(plsc.load_gather(f_v, [kv2 + cvec]),
                                    jnp.bfloat16))
                v = jnp.maximum(v, jnp.bfloat16(0.0))
                lo, hi = plsc.unpack(v, format=plsc.PackFormat.INTERLEAVED,
                                     preferred_element_type=jnp.float32)
                addr = rowv + cvec
                plsc.store_scatter(obuf, [addr], lo)
                plsc.store_scatter(obuf, [addr + WPR], hi)

            return 0

        lax.fori_loop(0, OCH // LANES, group_body, 0)
        out_cps[c % 2] = pltpu.async_copy(
            obuf, out_hbm.at[pl.ds((base + c * OCH) * EMBED, OCH * EMBED)],
            osem)
    for cp in out_cps:
        if cp is not None:
            cp.wait()


def _mlp2_kernel(x_ref, w2_ref, b2_ref, o_ref):
    o_ref[:] = (
        jnp.dot(x_ref[:], w2_ref[:], preferred_element_type=jnp.float32)
        + b2_ref[:]
    )


def kernel(attr, dep_table, sid_table, eid_table, W1, b1, W2, b2):
    f32 = jnp.float32

    F = pl.pallas_call(
        _fuse_tables_kernel,
        out_shape=jax.ShapeDtypeStruct((F_ROWS, WPR), jnp.int32),
    )(dep_table, sid_table, eid_table, W1, b1.reshape(1, EMBED))
    f_words = F.reshape(F_ROWS * WPR)

    off = jnp.array(SEG_OFF, jnp.int32)
    idx = ((attr + off[None, :]) * WPR).T.reshape(3 * B)

    mesh = plsc.VectorSubcoreMesh(core_axis_name="c", subcore_axis_name="s")
    sc_call = functools.partial(
        pl.kernel,
        mesh=mesh,
        compiler_params=pltpu.CompilerParams(needs_layout_passes=False),
        out_type=jax.ShapeDtypeStruct((B * EMBED,), f32),
        scratch_types=[
            pltpu.VMEM((F_ROWS * WPR,), jnp.int32),
            pltpu.VMEM_SHARED((F_ROWS * WPR,), jnp.int32),
            pltpu.VMEM((BPW,), jnp.int32),
            pltpu.VMEM((BPW,), jnp.int32),
            pltpu.VMEM((BPW,), jnp.int32),
            pltpu.VMEM((OCH * EMBED,), f32),
            pltpu.VMEM((OCH * EMBED,), f32),
            pltpu.SemaphoreType.DMA,
            pltpu.SemaphoreType.DMA,
            pltpu.SemaphoreType.DMA,
        ],
    )(_sc_embed_sum)
    pre = sc_call(f_words, idx).reshape(B, EMBED)

    BM = 8192
    out = pl.pallas_call(
        _mlp2_kernel,
        grid=(B // BM,),
        in_specs=[
            pl.BlockSpec((BM, EMBED), lambda i: (i, 0)),
            pl.BlockSpec((EMBED, EMBED), lambda i: (0, 0)),
            pl.BlockSpec((1, EMBED), lambda i: (0, 0)),
        ],
        out_specs=pl.BlockSpec((BM, EMBED), lambda i: (i, 0)),
        out_shape=jax.ShapeDtypeStruct((B, EMBED), f32),
    )(pre, W2, b2.reshape(1, EMBED))
    return out

# --- scband reference (transcript-rebuilt; emitter-appended) ---
"""Pipeline reference for scband-label-embedder-51728586113503 (READ-ONLY COPY).

The authoritative reference and input builder live on the scoring server;
editing this copy changes nothing except your own understanding.
"""

import jax, jax.numpy as jnp
import numpy as np

B = 16384
HIDDEN = 256
EMBED = 128

def setup_inputs(seed: int = 0) -> dict:
    key = jax.random.key(seed)
    ks = jax.random.split(key, 9)
    attr = jax.random.randint(ks[0], (B, 3), 0, 257, dtype=jnp.int64 if jax.config.jax_enable_x64 else jnp.int32).astype(jnp.int32)
    dep_table = jax.random.normal(ks[1], (288, HIDDEN), dtype=jnp.float32) * 0.02
    sid_table = jax.random.normal(ks[2], (257, HIDDEN), dtype=jnp.float32) * 0.02
    eid_table = jax.random.normal(ks[3], (257, HIDDEN), dtype=jnp.float32) * 0.02
    lim1 = 1.0 / np.sqrt(HIDDEN * 3)
    W1 = jax.random.uniform(ks[4], (HIDDEN * 3, EMBED), dtype=jnp.float32, minval=-lim1, maxval=lim1)
    b1 = jax.random.uniform(ks[5], (EMBED,), dtype=jnp.float32, minval=-lim1, maxval=lim1)
    lim2 = 1.0 / np.sqrt(EMBED)
    W2 = jax.random.uniform(ks[6], (EMBED, EMBED), dtype=jnp.float32, minval=-lim2, maxval=lim2)
    b2 = jax.random.uniform(ks[7], (EMBED,), dtype=jnp.float32, minval=-lim2, maxval=lim2)
    return {"attr": attr, "dep_table": dep_table, "sid_table": sid_table, "eid_table": eid_table, "W1": W1, "b1": b1, "W2": W2, "b2": b2}

def reference(attr, dep_table, sid_table, eid_table, W1, b1, W2, b2):
    depature = attr[:, 0]
    sid = attr[:, 1]
    eid = attr[:, 2]
    depature_embed = jnp.take(dep_table, depature, axis=0)
    sid_embed = jnp.take(sid_table, sid, axis=0)
    eid_embed = jnp.take(eid_table, eid, axis=0)
    categorical_embed = jnp.concatenate((depature_embed, sid_embed, eid_embed), axis=1)
    deep_out = jax.nn.relu(categorical_embed @ W1 + b1)
    deep_out = deep_out @ W2 + b2
    return deep_out

if __name__ == "__main__":
    import jax
    _d = setup_inputs()
    print(jax.jit(kernel)(*tuple(_d.values())))

</pallas_src>

<mosaic_0001>
#map = affine_map<(d0, d1) -> (0)>
module attributes {stable_mosaic.version = 14 : i64} {
  func.func @_sc_embed_sum(%arg0: i32, %arg1: i32, %arg2: memref<53248xi32, #tpu.memory_space<hbm>>, %arg3: memref<49152xi32, #tpu.memory_space<hbm>>, %arg4: memref<2097152xf32, #tpu.memory_space<hbm>>, %arg5: memref<53248xi32, #tpu.memory_space<vmem>>, %arg6: memref<53248xi32, #tpu.memory_space<vmem_shared>>, %arg7: memref<512xi32, #tpu.memory_space<vmem>>, %arg8: memref<512xi32, #tpu.memory_space<vmem>>, %arg9: memref<512xi32, #tpu.memory_space<vmem>>, %arg10: memref<16384xf32, #tpu.memory_space<vmem>>, %arg11: memref<16384xf32, #tpu.memory_space<vmem>>, %arg12: memref<!tpu.dma_semaphore, #tpu.memory_space<semaphore_mem>>, %arg13: memref<!tpu.dma_semaphore, #tpu.memory_space<semaphore_mem>>, %arg14: memref<!tpu.dma_semaphore, #tpu.memory_space<semaphore_mem>>) attributes {dimension_semantics = [#tpu.dimension_semantics<core_parallel>, #tpu.dimension_semantics<subcore_parallel>], iteration_bounds = array<i64: 2, 16>, scalar_prefetch = 0 : i64, scratch_operands = 10 : i64, tpu.core_type = #tpu.core_type<sc_vector_subcore>, window_params = [{transform_indices = #map}, {transform_indices = #map}, {transform_indices = #map}]} {
    %mul3A = arith.constant 2 : i32
    %mul3A_0 = arith.muli %arg1, %mul3A : i32
    %add3A = arith.addi %mul3A_0, %arg0 : i32
    %mul3A_1 = arith.constant 512 : i32
    %mul3A_2 = arith.muli %add3A, %mul3A_1 : i32
    %eq3A = arith.constant 0 : i32
    %eq3A_3 = arith.cmpi eq, %arg1, %eq3A : i32
    %convert_element_type3A = arith.extui %eq3A_3 : i1 to i32
    %cond3A = arith.constant 0 : i32
    %cond3A_4 = arith.cmpi ne, %convert_element_type3A, %cond3A : i32
    scf.if %cond3A_4 {
      "tpu.region"() ({
        %run_scoped3A = tpu.sem_alloc : memref<!tpu.dma_semaphore, #tpu.memory_space<semaphore_mem>>
        tpu.enqueue_dma source(%arg2 : memref<53248xi32, #tpu.memory_space<hbm>>) target(%arg6 : memref<53248xi32, #tpu.memory_space<vmem_shared>>) target_semaphore(%run_scoped3A : memref<!tpu.dma_semaphore, #tpu.memory_space<semaphore_mem>>)
        tpu.wait_dma2 semaphore(%run_scoped3A : memref<!tpu.dma_semaphore, #tpu.memory_space<semaphore_mem>>) src(%arg2 : memref<53248xi32, #tpu.memory_space<hbm>>) dst(%arg6 : memref<53248xi32, #tpu.memory_space<vmem_shared>>)
        tpu.yield
      }) : () -> ()
    } else {
    }
    %add3A_5 = arith.constant 0 : i32
    %add3A_6 = arith.addi %add3A_5, %mul3A_2 : i32
    "tpu.region"() ({
      %run_scoped3A = tpu.sem_alloc : memref<!tpu.dma_semaphore, #tpu.memory_space<semaphore_mem>>
      %dma_start3A_68 = tpu.memref_slice %arg3[%add3A_6] : memref<49152xi32, #tpu.memory_space<hbm>> -> memref<512xi32, #tpu.memory_space<hbm>>
      %dma_start3A_69 = tpu.memref_slice %arg3[%add3A_6] : memref<49152xi32, #tpu.memory_space<hbm>> -> memref<512xi32, #tpu.memory_space<hbm>>
      tpu.enqueue_dma source(%dma_start3A_69 : memref<512xi32, #tpu.memory_space<hbm>>) target(%arg7 : memref<512xi32, #tpu.memory_space<vmem>>) target_semaphore(%run_scoped3A : memref<!tpu.dma_semaphore, #tpu.memory_space<semaphore_mem>>)
      %dma_wait3A_70 = tpu.memref_slice %arg3[%add3A_6] : memref<49152xi32, #tpu.memory_space<hbm>> -> memref<512xi32, #tpu.memory_space<hbm>>
      %dma_wait3A_71 = tpu.memref_slice %arg3[%add3A_6] : memref<49152xi32, #tpu.memory_space<hbm>> -> memref<512xi32, #tpu.memory_space<hbm>>
      tpu.wait_dma2 semaphore(%run_scoped3A : memref<!tpu.dma_semaphore, #tpu.memory_space<semaphore_mem>>) src(%dma_wait3A_71 : memref<512xi32, #tpu.memory_space<hbm>>) dst(%arg7 : memref<512xi32, #tpu.memory_space<vmem>>)
      tpu.yield
    }) : () -> ()
    %add3A_7 = arith.constant 16384 : i32
    %add3A_8 = arith.addi %add3A_7, %mul3A_2 : i32
    "tpu.region"() ({
      %run_scoped3A = tpu.sem_alloc : memref<!tpu.dma_semaphore, #tpu.memory_space<semaphore_mem>>
      %dma_start3A_68 = tpu.memref_slice %arg3[%add3A_8] : memref<49152xi32, #tpu.memory_space<hbm>> -> memref<512xi32, #tpu.memory_space<hbm>>
      %dma_start3A_69 = tpu.memref_slice %arg3[%add3A_8] : memref<49152xi32, #tpu.memory_space<hbm>> -> memref<512xi32, #tpu.memory_space<hbm>>
      tpu.enqueue_dma source(%dma_start3A_69 : memref<512xi32, #tpu.memory_space<hbm>>) target(%arg8 : memref<512xi32, #tpu.memory_space<vmem>>) target_semaphore(%run_scoped3A : memref<!tpu.dma_semaphore, #tpu.memory_space<semaphore_mem>>)
      %dma_wait3A_70 = tpu.memref_slice %arg3[%add3A_8] : memref<49152xi32, #tpu.memory_space<hbm>> -> memref<512xi32, #tpu.memory_space<hbm>>
      %dma_wait3A_71 = tpu.memref_slice %arg3[%add3A_8] : memref<49152xi32, #tpu.memory_space<hbm>> -> memref<512xi32, #tpu.memory_space<hbm>>
      tpu.wait_dma2 semaphore(%run_scoped3A : memref<!tpu.dma_semaphore, #tpu.memory_space<semaphore_mem>>) src(%dma_wait3A_71 : memref<512xi32, #tpu.memory_space<hbm>>) dst(%arg8 : memref<512xi32, #tpu.memory_space<vmem>>)
      tpu.yield
    }) : () -> ()
    %add3A_9 = arith.constant 32768 : i32
    %add3A_10 = arith.addi %add3A_9, %mul3A_2 : i32
    "tpu.region"() ({
      %run_scoped3A = tpu.sem_alloc : memref<!tpu.dma_semaphore, #tpu.memory_space<semaphore_mem>>
      %dma_start3A_68 = tpu.memref_slice %arg3[%add3A_10] : memref<49152xi32, #tpu.memory_space<hbm>> -> memref<512xi32, #tpu.memory_space<hbm>>
      %dma_start3A_69 = tpu.memref_slice %arg3[%add3A_10] : memref<49152xi32, #tpu.memory_space<hbm>> -> memref<512xi32, #tpu.memory_space<hbm>>
      tpu.enqueue_dma source(%dma_start3A_69 : memref<512xi32, #tpu.memory_space<hbm>>) target(%arg9 : memref<512xi32, #tpu.memory_space<vmem>>) target_semaphore(%run_scoped3A : memref<!tpu.dma_semaphore, #tpu.memory_space<semaphore_mem>>)
      %dma_wait3A_70 = tpu.memref_slice %arg3[%add3A_10] : memref<49152xi32, #tpu.memory_space<hbm>> -> memref<512xi32, #tpu.memory_space<hbm>>
      %dma_wait3A_71 = tpu.memref_slice %arg3[%add3A_10] : memref<49152xi32, #tpu.memory_space<hbm>> -> memref<512xi32, #tpu.memory_space<hbm>>
      tpu.wait_dma2 semaphore(%run_scoped3A : memref<!tpu.dma_semaphore, #tpu.memory_space<semaphore_mem>>) src(%dma_wait3A_71 : memref<512xi32, #tpu.memory_space<hbm>>) dst(%arg9 : memref<512xi32, #tpu.memory_space<vmem>>)
      tpu.yield
    }) : () -> ()
    %barrier3A = arith.constant 0 : index
    tpu.barrier barrier_id(%barrier3A)
    "tpu.region"() ({
      %run_scoped3A = tpu.sem_alloc : memref<!tpu.dma_semaphore, #tpu.memory_space<semaphore_mem>>
      tpu.enqueue_dma source(%arg6 : memref<53248xi32, #tpu.memory_space<vmem_shared>>) target(%arg5 : memref<53248xi32, #tpu.memory_space<vmem>>) target_semaphore(%run_scoped3A : memref<!tpu.dma_semaphore, #tpu.memory_space<semaphore_mem>>)
      tpu.wait_dma2 semaphore(%run_scoped3A : memref<!tpu.dma_semaphore, #tpu.memory_space<semaphore_mem>>) src(%arg6 : memref<53248xi32, #tpu.memory_space<vmem_shared>>) dst(%arg5 : memref<53248xi32, #tpu.memory_space<vmem>>)
      tpu.yield
    }) : () -> ()
    %scan3A = arith.constant 0 : i32
    %scan3A_11 = arith.constant 0 : i32
    %scan3A_12 = arith.constant 8 : i32
    %scan3A_13 = arith.addi %scan3A_11, %scan3A_12 : i32
    %scan3A_14 = arith.constant 1 : i32
    %scan3A_15 = scf.for %scan3A_68 = %scan3A_11 to %scan3A_13 step %scan3A_14 iter_args(%scan3A_69 = %scan3A) -> (i32)  : i32 {
      %mul3A_70 = arith.constant 16 : i32
      %mul3A_71 = arith.muli %scan3A_68, %mul3A_70 : i32
      %add3A_72 = arith.constant 0 : i32
      %add3A_73 = arith.addi %add3A_72, %mul3A_71 : i32
      %iota3A = tpu.iota {dimensions = array<i32: 0>} : vector<16xi32>
      %get3A = arith.index_cast %add3A_73 : i32 to index
      %get3A_74 = tpu.vector_load %arg7[%get3A] {strides = array<i32>} : memref<512xi32, #tpu.memory_space<vmem>>, vector<16xi32>,
      %get3A_75 = arith.index_cast %add3A_73 : i32 to index
      %get3A_76 = tpu.vector_load %arg8[%get3A_75] {strides = array<i32>} : memref<512xi32, #tpu.memory_space<vmem>>, vector<16xi32>,
      %get3A_77 = arith.index_cast %add3A_73 : i32 to index
      %get3A_78 = tpu.vector_load %arg9[%get3A_77] {strides = array<i32>} : memref<512xi32, #tpu.memory_space<vmem>>, vector<16xi32>,
      %mul3A_79 = arith.constant 128 : i32
      %mul3A_80 = vector.broadcast %mul3A_79 : i32 to vector<16xi32>
      %mul3A_81 = arith.muli %iota3A, %mul3A_80 : vector<16xi32>
      %mul3A_82 = arith.constant 2048 : i32
      %mul3A_83 = arith.muli %scan3A_68, %mul3A_82 : i32
      %add3A_84 = vector.broadcast %mul3A_83 : i32 to vector<16xi32>
      %add3A_85 = arith.addi %mul3A_81, %add3A_84 : vector<16xi32>
      %parallel_loop3A = arith.constant 0 : i32
      %parallel_loop3A_86 = arith.constant 64 : i32
      %parallel_loop3A_87 = arith.constant 1 : i32
      scf.for %parallel_loop3A_89 = %parallel_loop3A to %parallel_loop3A_86 step %parallel_loop3A_87  : i32 {
        %parallel_loop3A_90 = vector.broadcast %parallel_loop3A_89 : i32 to vector<16xi32>
        %parallel_loop3A_91 = arith.addi %parallel_loop3A_90, %iota3A : vector<16xi32>
        %parallel_loop3A_92 = arith.constant 63 : i32
        %parallel_loop3A_93 = vector.broadcast %parallel_loop3A_92 : i32 to vector<16xi32>
        %parallel_loop3A_94 = arith.andi %parallel_loop3A_91, %parallel_loop3A_93 : vector<16xi32>
        %parallel_loop3A_95 = arith.addi %get3A_74, %parallel_loop3A_94 : vector<16xi32>
        %parallel_loop3A_96 = tpu.vector_load_idx %arg5[%parallel_loop3A_95] : memref<53248xi32, #tpu.memory_space<vmem>>[vector<16xi32>], vector<16xi32>,
        %parallel_loop3A_97 = vector.bitcast %parallel_loop3A_96 : vector<16xi32> to vector<32xbf16>
        %parallel_loop3A_98 = arith.addi %get3A_76, %parallel_loop3A_94 : vector<16xi32>
        %parallel_loop3A_99 = tpu.vector_load_idx %arg5[%parallel_loop3A_98] : memref<53248xi32, #tpu.memory_space<vmem>>[vector<16xi32>], vector<16xi32>,
        %parallel_loop3A_100 = vector.bitcast %parallel_loop3A_99 : vector<16xi32> to vector<32xbf16>
        %parallel_loop3A_101 = arith.addf %parallel_loop3A_97, %parallel_loop3A_100 : vector<32xbf16>
        %parallel_loop3A_102 = arith.addi %get3A_78, %parallel_loop3A_94 : vector<16xi32>
        %parallel_loop3A_103 = tpu.vector_load_idx %arg5[%parallel_loop3A_102] : memref<53248xi32, #tpu.memory_space<vmem>>[vector<16xi32>], vector<16xi32>,
        %parallel_loop3A_104 = vector.bitcast %parallel_loop3A_103 : vector<16xi32> to vector<32xbf16>
        %parallel_loop3A_105 = arith.addf %parallel_loop3A_101, %parallel_loop3A_104 : vector<32xbf16>
        %parallel_loop3A_106 = arith.constant 0.000000e+00 : bf16
        %parallel_loop3A_107 = vector.broadcast %parallel_loop3A_106 : bf16 to vector<32xbf16>
        %parallel_loop3A_108 = arith.maximumf %parallel_loop3A_105, %parallel_loop3A_107 : vector<32xbf16>
        %parallel_loop3A_109 = tpu.unpack_subelements %parallel_loop3A_108, 0 {pack_format = #tpu.pack_format<interleaved>} : vector<32xbf16> -> vector<16xf32>
        %parallel_loop3A_110 = tpu.unpack_subelements %parallel_loop3A_108, 1 {pack_format = #tpu.pack_format<interleaved>} : vector<32xbf16> -> vector<16xf32>
        %parallel_loop3A_111 = arith.addi %add3A_85, %parallel_loop3A_94 : vector<16xi32>
        tpu.vector_store_idx %arg10[%parallel_loop3A_111], %parallel_loop3A_109 : memref<16384xf32, #tpu.memory_space<vmem>>[vector<16xi32>], vector<16xf32>,
        %parallel_loop3A_112 = arith.constant 64 : i32
        %parallel_loop3A_113 = vector.broadcast %parallel_loop3A_112 : i32 to vector<16xi32>
        %parallel_loop3A_114 = arith.addi %parallel_loop3A_111, %parallel_loop3A_113 : vector<16xi32>
        tpu.vector_store_idx %arg10[%parallel_loop3A_114], %parallel_loop3A_110 : memref<16384xf32, #tpu.memory_space<vmem>>[vector<16xi32>], vector<16xf32>,
      } {sc.loop_unroll_factor = 4 : i64, sc.parallel_access}
      %scan3A_88 = arith.constant 0 : i32
      scf.yield %scan3A_88 : i32
    }
    %scan3A_16 = arith.constant 8 : i32
    %add3A_17 = arith.constant 0 : i32
    %add3A_18 = arith.addi %mul3A_2, %add3A_17 : i32
    %mul3A_19 = arith.constant 128 : i32
    %mul3A_20 = arith.muli %add3A_18, %mul3A_19 : i32
    %dma_start3A = tpu.memref_slice %arg4[%mul3A_20] : memref<2097152xf32, #tpu.memory_space<hbm>> -> memref<16384xf32, #tpu.memory_space<hbm>>
    %dma_start3A_21 = tpu.memref_slice %arg4[%mul3A_20] : memref<2097152xf32, #tpu.memory_space<hbm>> -> memref<16384xf32, #tpu.memory_space<hbm>>
    tpu.enqueue_dma source(%arg10 : memref<16384xf32, #tpu.memory_space<vmem>>) target(%dma_start3A_21 : memref<16384xf32, #tpu.memory_space<hbm>>) target_semaphore(%arg13 : memref<!tpu.dma_semaphore, #tpu.memory_space<semaphore_mem>>)
    %scan3A_22 = arith.constant 0 : i32
    %scan3A_23 = arith.constant 0 : i32
    %scan3A_24 = arith.constant 8 : i32
    %scan3A_25 = arith.addi %scan3A_23, %scan3A_24 : i32
    %scan3A_26 = arith.constant 1 : i32
    %scan3A_27 = scf.for %scan3A_68 = %scan3A_23 to %scan3A_25 step %scan3A_26 iter_args(%scan3A_69 = %scan3A_22) -> (i32)  : i32 {
      %mul3A_70 = arith.constant 16 : i32
      %mul3A_71 = arith.muli %scan3A_68, %mul3A_70 : i32
      %add3A_72 = arith.constant 128 : i32
      %add3A_73 = arith.addi %add3A_72, %mul3A_71 : i32
      %iota3A = tpu.iota {dimensions = array<i32: 0>} : vector<16xi32>
      %get3A = arith.index_cast %add3A_73 : i32 to index
      %get3A_74 = tpu.vector_load %arg7[%get3A] {strides = array<i32>} : memref<512xi32, #tpu.memory_space<vmem>>, vector<16xi32>,
      %get3A_75 = arith.index_cast %add3A_73 : i32 to index
      %get3A_76 = tpu.vector_load %arg8[%get3A_75] {strides = array<i32>} : memref<512xi32, #tpu.memory_space<vmem>>, vector<16xi32>,
      %get3A_77 = arith.index_cast %add3A_73 : i32 to index
      %get3A_78 = tpu.vector_load %arg9[%get3A_77] {strides = array<i32>} : memref<512xi32, #tpu.memory_space<vmem>>, vector<16xi32>,
      %mul3A_79 = arith.constant 128 : i32
      %mul3A_80 = vector.broadcast %mul3A_79 : i32 to vector<16xi32>
      %mul3A_81 = arith.muli %iota3A, %mul3A_80 : vector<16xi32>
      %mul3A_82 = arith.constant 2048 : i32
      %mul3A_83 = arith.muli %scan3A_68, %mul3A_82 : i32
      %add3A_84 = vector.broadcast %mul3A_83 : i32 to vector<16xi32>
      %add3A_85 = arith.addi %mul3A_81, %add3A_84 : vector<16xi32>
      %parallel_loop3A = arith.constant 0 : i32
      %parallel_loop3A_86 = arith.constant 64 : i32
      %parallel_loop3A_87 = arith.constant 1 : i32
      scf.for %parallel_loop3A_89 = %parallel_loop3A to %parallel_loop3A_86 step %parallel_loop3A_87  : i32 {
        %parallel_loop3A_90 = vector.broadcast %parallel_loop3A_89 : i32 to vector<16xi32>
        %parallel_loop3A_91 = arith.addi %parallel_loop3A_90, %iota3A : vector<16xi32>
        %parallel_loop3A_92 = arith.constant 63 : i32
        %parallel_loop3A_93 = vector.broadcast %parallel_loop3A_92 : i32 to vector<16xi32>
        %parallel_loop3A_94 = arith.andi %parallel_loop3A_91, %parallel_loop3A_93 : vector<16xi32>
        %parallel_loop3A_95 = arith.addi %get3A_74, %parallel_loop3A_94 : vector<16xi32>
        %parallel_loop3A_96 = tpu.vector_load_idx %arg5[%parallel_loop3A_95] : memref<53248xi32, #tpu.memory_space<vmem>>[vector<16xi32>], vector<16xi32>,
        %parallel_loop3A_97 = vector.bitcast %parallel_loop3A_96 : vector<16xi32> to vector<32xbf16>
        %parallel_loop3A_98 = arith.addi %get3A_76, %parallel_loop3A_94 : vector<16xi32>
        %parallel_loop3A_99 = tpu.vector_load_idx %arg5[%parallel_loop3A_98] : memref<53248xi32, #tpu.memory_space<vmem>>[vector<16xi32>], vector<16xi32>,
        %parallel_loop3A_100 = vector.bitcast %parallel_loop3A_99 : vector<16xi32> to vector<32xbf16>
        %parallel_loop3A_101 = arith.addf %parallel_loop3A_97, %parallel_loop3A_100 : vector<32xbf16>
        %parallel_loop3A_102 = arith.addi %get3A_78, %parallel_loop3A_94 : vector<16xi32>
        %parallel_loop3A_103 = tpu.vector_load_idx %arg5[%parallel_loop3A_102] : memref<53248xi32, #tpu.memory_space<vmem>>[vector<16xi32>], vector<16xi32>,
        %parallel_loop3A_104 = vector.bitcast %parallel_loop3A_103 : vector<16xi32> to vector<32xbf16>
        %parallel_loop3A_105 = arith.addf %parallel_loop3A_101, %parallel_loop3A_104 : vector<32xbf16>
        %parallel_loop3A_106 = arith.constant 0.000000e+00 : bf16
        %parallel_loop3A_107 = vector.broadcast %parallel_loop3A_106 : bf16 to vector<32xbf16>
        %parallel_loop3A_108 = arith.maximumf %parallel_loop3A_105, %parallel_loop3A_107 : vector<32xbf16>
        %parallel_loop3A_109 = tpu.unpack_subelements %parallel_loop3A_108, 0 {pack_format = #tpu.pack_format<interleaved>} : vector<32xbf16> -> vector<16xf32>
        %parallel_loop3A_110 = tpu.unpack_subelements %parallel_loop3A_108, 1 {pack_format = #tpu.pack_format<interleaved>} : vector<32xbf16> -> vector<16xf32>
        %parallel_loop3A_111 = arith.addi %add3A_85, %parallel_loop3A_94 : vector<16xi32>
        tpu.vector_store_idx %arg11[%parallel_loop3A_111], %parallel_loop3A_109 : memref<16384xf32, #tpu.memory_space<vmem>>[vector<16xi32>], vector<16xf32>,
        %parallel_loop3A_112 = arith.constant 64 : i32
        %parallel_loop3A_113 = vector.broadcast %parallel_loop3A_112 : i32 to vector<16xi32>
        %parallel_loop3A_114 = arith.addi %parallel_loop3A_111, %parallel_loop3A_113 : vector<16xi32>
        tpu.vector_store_idx %arg11[%parallel_loop3A_114], %parallel_loop3A_110 : memref<16384xf32, #tpu.memory_space<vmem>>[vector<16xi32>], vector<16xf32>,
      } {sc.loop_unroll_factor = 4 : i64, sc.parallel_access}
      %scan3A_88 = arith.constant 0 : i32
      scf.yield %scan3A_88 : i32
    }
    %scan3A_28 = arith.constant 8 : i32
    %add3A_29 = arith.constant 128 : i32
    %add3A_30 = arith.addi %mul3A_2, %add3A_29 : i32
    %mul3A_31 = arith.constant 128 : i32
    %mul3A_32 = arith.muli %add3A_30, %mul3A_31 : i32
    %dma_start3A_33 = tpu.memref_slice %arg4[%mul3A_32] : memref<2097152xf32, #tpu.memory_space<hbm>> -> memref<16384xf32, #tpu.memory_space<hbm>>
    %dma_start3A_34 = tpu.memref_slice %arg4[%mul3A_32] : memref<2097152xf32, #tpu.memory_space<hbm>> -> memref<16384xf32, #tpu.memory_space<hbm>>
    tpu.enqueue_dma source(%arg11 : memref<16384xf32, #tpu.memory_space<vmem>>) target(%dma_start3A_34 : memref<16384xf32, #tpu.memory_space<hbm>>) target_semaphore(%arg14 : memref<!tpu.dma_semaphore, #tpu.memory_space<semaphore_mem>>)
    %dma_wait3A = tpu.memref_slice %arg4[%mul3A_20] : memref<2097152xf32, #tpu.memory_space<hbm>> -> memref<16384xf32, #tpu.memory_space<hbm>>
    %dma_wait3A_35 = tpu.memref_slice %arg4[%mul3A_20] : memref<2097152xf32, #tpu.memory_space<hbm>> -> memref<16384xf32, #tpu.memory_space<hbm>>
    tpu.wait_dma2 semaphore(%arg13 : memref<!tpu.dma_semaphore, #tpu.memory_space<semaphore_mem>>) src(%arg10 : memref<16384xf32, #tpu.memory_space<vmem>>) dst(%dma_wait3A_35 : memref<16384xf32, #tpu.memory_space<hbm>>)
    %scan3A_36 = arith.constant 0 : i32
    %scan3A_37 = arith.constant 0 : i32
    %scan3A_38 = arith.constant 8 : i32
    %scan3A_39 = arith.addi %scan3A_37, %scan3A_38 : i32
    %scan3A_40 = arith.constant 1 : i32
    %scan3A_41 = scf.for %scan3A_68 = %scan3A_37 to %scan3A_39 step %scan3A_40 iter_args(%scan3A_69 = %scan3A_36) -> (i32)  : i32 {
      %mul3A_70 = arith.constant 16 : i32
      %mul3A_71 = arith.muli %scan3A_68, %mul3A_70 : i32
      %add3A_72 = arith.constant 256 : i32
      %add3A_73 = arith.addi %add3A_72, %mul3A_71 : i32
      %iota3A = tpu.iota {dimensions = array<i32: 0>} : vector<16xi32>
      %get3A = arith.index_cast %add3A_73 : i32 to index
      %get3A_74 = tpu.vector_load %arg7[%get3A] {strides = array<i32>} : memref<512xi32, #tpu.memory_space<vmem>>, vector<16xi32>,
      %get3A_75 = arith.index_cast %add3A_73 : i32 to index
      %get3A_76 = tpu.vector_load %arg8[%get3A_75] {strides = array<i32>} : memref<512xi32, #tpu.memory_space<vmem>>, vector<16xi32>,
      %get3A_77 = arith.index_cast %add3A_73 : i32 to index
      %get3A_78 = tpu.vector_load %arg9[%get3A_77] {strides = array<i32>} : memref<512xi32, #tpu.memory_space<vmem>>, vector<16xi32>,
      %mul3A_79 = arith.constant 128 : i32
      %mul3A_80 = vector.broadcast %mul3A_79 : i32 to vector<16xi32>
      %mul3A_81 = arith.muli %iota3A, %mul3A_80 : vector<16xi32>
      %mul3A_82 = arith.constant 2048 : i32
      %mul3A_83 = arith.muli %scan3A_68, %mul3A_82 : i32
      %add3A_84 = vector.broadcast %mul3A_83 : i32 to vector<16xi32>
      %add3A_85 = arith.addi %mul3A_81, %add3A_84 : vector<16xi32>
      %parallel_loop3A = arith.constant 0 : i32
      %parallel_loop3A_86 = arith.constant 64 : i32
      %parallel_loop3A_87 = arith.constant 1 : i32
      scf.for %parallel_loop3A_89 = %parallel_loop3A to %parallel_loop3A_86 step %parallel_loop3A_87  : i32 {
        %parallel_loop3A_90 = vector.broadcast %parallel_loop3A_89 : i32 to vector<16xi32>
        %parallel_loop3A_91 = arith.addi %parallel_loop3A_90, %iota3A : vector<16xi32>
        %parallel_loop3A_92 = arith.constant 63 : i32
        %parallel_loop3A_93 = vector.broadcast %parallel_loop3A_92 : i32 to vector<16xi32>
        %parallel_loop3A_94 = arith.andi %parallel_loop3A_91, %parallel_loop3A_93 : vector<16xi32>
        %parallel_loop3A_95 = arith.addi %get3A_74, %parallel_loop3A_94 : vector<16xi32>
        %parallel_loop3A_96 = tpu.vector_load_idx %arg5[%parallel_loop3A_95] : memref<53248xi32, #tpu.memory_space<vmem>>[vector<16xi32>], vector<16xi32>,
        %parallel_loop3A_97 = vector.bitcast %parallel_loop3A_96 : vector<16xi32> to vector<32xbf16>
        %parallel_loop3A_98 = arith.addi %get3A_76, %parallel_loop3A_94 : vector<16xi32>
        %parallel_loop3A_99 = tpu.vector_load_idx %arg5[%parallel_loop3A_98] : memref<53248xi32, #tpu.memory_space<vmem>>[vector<16xi32>], vector<16xi32>,
        %parallel_loop3A_100 = vector.bitcast %parallel_loop3A_99 : vector<16xi32> to vector<32xbf16>
        %parallel_loop3A_101 = arith.addf %parallel_loop3A_97, %parallel_loop3A_100 : vector<32xbf16>
        %parallel_loop3A_102 = arith.addi %get3A_78, %parallel_loop3A_94 : vector<16xi32>
        %parallel_loop3A_103 = tpu.vector_load_idx %arg5[%parallel_loop3A_102] : memref<53248xi32, #tpu.memory_space<vmem>>[vector<16xi32>], vector<16xi32>,
        %parallel_loop3A_104 = vector.bitcast %parallel_loop3A_103 : vector<16xi32> to vector<32xbf16>
        %parallel_loop3A_105 = arith.addf %parallel_loop3A_101, %parallel_loop3A_104 : vector<32xbf16>
        %parallel_loop3A_106 = arith.constant 0.000000e+00 : bf16
        %parallel_loop3A_107 = vector.broadcast %parallel_loop3A_106 : bf16 to vector<32xbf16>
        %parallel_loop3A_108 = arith.maximumf %parallel_loop3A_105, %parallel_loop3A_107 : vector<32xbf16>
        %parallel_loop3A_109 = tpu.unpack_subelements %parallel_loop3A_108, 0 {pack_format = #tpu.pack_format<interleaved>} : vector<32xbf16> -> vector<16xf32>
        %parallel_loop3A_110 = tpu.unpack_subelements %parallel_loop3A_108, 1 {pack_format = #tpu.pack_format<interleaved>} : vector<32xbf16> -> vector<16xf32>
        %parallel_loop3A_111 = arith.addi %add3A_85, %parallel_loop3A_94 : vector<16xi32>
        tpu.vector_store_idx %arg10[%parallel_loop3A_111], %parallel_loop3A_109 : memref<16384xf32, #tpu.memory_space<vmem>>[vector<16xi32>], vector<16xf32>,
        %parallel_loop3A_112 = arith.constant 64 : i32
        %parallel_loop3A_113 = vector.broadcast %parallel_loop3A_112 : i32 to vector<16xi32>
        %parallel_loop3A_114 = arith.addi %parallel_loop3A_111, %parallel_loop3A_113 : vector<16xi32>
        tpu.vector_store_idx %arg10[%parallel_loop3A_114], %parallel_loop3A_110 : memref<16384xf32, #tpu.memory_space<vmem>>[vector<16xi32>], vector<16xf32>,
      } {sc.loop_unroll_factor = 4 : i64, sc.parallel_access}
      %scan3A_88 = arith.constant 0 : i32
      scf.yield %scan3A_88 : i32
    }
    %scan3A_42 = arith.constant 8 : i32
    %add3A_43 = arith.constant 256 : i32
    %add3A_44 = arith.addi %mul3A_2, %add3A_43 : i32
    %mul3A_45 = arith.constant 128 : i32
    %mul3A_46 = arith.muli %add3A_44, %mul3A_45 : i32
    %dma_start3A_47 = tpu.memref_slice %arg4[%mul3A_46] : memref<2097152xf32, #tpu.memory_space<hbm>> -> memref<16384xf32, #tpu.memory_space<hbm>>
    %dma_start3A_48 = tpu.memref_slice %arg4[%mul3A_46] : memref<2097152xf32, #tpu.memory_space<hbm>> -> memref<16384xf32, #tpu.memory_space<hbm>>
    tpu.enqueue_dma source(%arg10 : memref<16384xf32, #tpu.memory_space<vmem>>) target(%dma_start3A_48 : memref<16384xf32, #tpu.memory_space<hbm>>) target_semaphore(%arg13 : memref<!tpu.dma_semaphore, #tpu.memory_space<semaphore_mem>>)
    %dma_wait3A_49 = tpu.memref_slice %arg4[%mul3A_32] : memref<2097152xf32, #tpu.memory_space<hbm>> -> memref<16384xf32, #tpu.memory_space<hbm>>
    %dma_wait3A_50 = tpu.memref_slice %arg4[%mul3A_32] : memref<2097152xf32, #tpu.memory_space<hbm>> -> memref<16384xf32, #tpu.memory_space<hbm>>
    tpu.wait_dma2 semaphore(%arg14 : memref<!tpu.dma_semaphore, #tpu.memory_space<semaphore_mem>>) src(%arg11 : memref<16384xf32, #tpu.memory_space<vmem>>) dst(%dma_wait3A_50 : memref<16384xf32, #tpu.memory_space<hbm>>)
    %scan3A_51 = arith.constant 0 : i32
    %scan3A_52 = arith.constant 0 : i32
    %scan3A_53 = arith.constant 8 : i32
    %scan3A_54 = arith.addi %scan3A_52, %scan3A_53 : i32
    %scan3A_55 = arith.constant 1 : i32
    %scan3A_56 = scf.for %scan3A_68 = %scan3A_52 to %scan3A_54 step %scan3A_55 iter_args(%scan3A_69 = %scan3A_51) -> (i32)  : i32 {
      %mul3A_70 = arith.constant 16 : i32
      %mul3A_71 = arith.muli %scan3A_68, %mul3A_70 : i32
      %add3A_72 = arith.constant 384 : i32
      %add3A_73 = arith.addi %add3A_72, %mul3A_71 : i32
      %iota3A = tpu.iota {dimensions = array<i32: 0>} : vector<16xi32>
      %get3A = arith.index_cast %add3A_73 : i32 to index
      %get3A_74 = tpu.vector_load %arg7[%get3A] {strides = array<i32>} : memref<512xi32, #tpu.memory_space<vmem>>, vector<16xi32>,
      %get3A_75 = arith.index_cast %add3A_73 : i32 to index
      %get3A_76 = tpu.vector_load %arg8[%get3A_75] {strides = array<i32>} : memref<512xi32, #tpu.memory_space<vmem>>, vector<16xi32>,
      %get3A_77 = arith.index_cast %add3A_73 : i32 to index
      %get3A_78 = tpu.vector_load %arg9[%get3A_77] {strides = array<i32>} : memref<512xi32, #tpu.memory_space<vmem>>, vector<16xi32>,
      %mul3A_79 = arith.constant 128 : i32
      %mul3A_80 = vector.broadcast %mul3A_79 : i32 to vector<16xi32>
      %mul3A_81 = arith.muli %iota3A, %mul3A_80 : vector<16xi32>
      %mul3A_82 = arith.constant 2048 : i32
      %mul3A_83 = arith.muli %scan3A_68, %mul3A_82 : i32
      %add3A_84 = vector.broadcast %mul3A_83 : i32 to vector<16xi32>
      %add3A_85 = arith.addi %mul3A_81, %add3A_84 : vector<16xi32>
      %parallel_loop3A = arith.constant 0 : i32
      %parallel_loop3A_86 = arith.constant 64 : i32
      %parallel_loop3A_87 = arith.constant 1 : i32
      scf.for %parallel_loop3A_89 = %parallel_loop3A to %parallel_loop3A_86 step %parallel_loop3A_87  : i32 {
        %parallel_loop3A_90 = vector.broadcast %parallel_loop3A_89 : i32 to vector<16xi32>
        %parallel_loop3A_91 = arith.addi %parallel_loop3A_90, %iota3A : vector<16xi32>
        %parallel_loop3A_92 = arith.constant 63 : i32
        %parallel_loop3A_93 = vector.broadcast %parallel_loop3A_92 : i32 to vector<16xi32>
        %parallel_loop3A_94 = arith.andi %parallel_loop3A_91, %parallel_loop3A_93 : vector<16xi32>
        %parallel_loop3A_95 = arith.addi %get3A_74, %parallel_loop3A_94 : vector<16xi32>
        %parallel_loop3A_96 = tpu.vector_load_idx %arg5[%parallel_loop3A_95] : memref<53248xi32, #tpu.memory_space<vmem>>[vector<16xi32>], vector<16xi32>,
        %parallel_loop3A_97 = vector.bitcast %parallel_loop3A_96 : vector<16xi32> to vector<32xbf16>
        %parallel_loop3A_98 = arith.addi %get3A_76, %parallel_loop3A_94 : vector<16xi32>
        %parallel_loop3A_99 = tpu.vector_load_idx %arg5[%parallel_loop3A_98] : memref<53248xi32, #tpu.memory_space<vmem>>[vector<16xi32>], vector<16xi32>,
        %parallel_loop3A_100 = vector.bitcast %parallel_loop3A_99 : vector<16xi32> to vector<32xbf16>
        %parallel_loop3A_101 = arith.addf %parallel_loop3A_97, %parallel_loop3A_100 : vector<32xbf16>
        %parallel_loop3A_102 = arith.addi %get3A_78, %parallel_loop3A_94 : vector<16xi32>
        %parallel_loop3A_103 = tpu.vector_load_idx %arg5[%parallel_loop3A_102] : memref<53248xi32, #tpu.memory_space<vmem>>[vector<16xi32>], vector<16xi32>,
        %parallel_loop3A_104 = vector.bitcast %parallel_loop3A_103 : vector<16xi32> to vector<32xbf16>
        %parallel_loop3A_105 = arith.addf %parallel_loop3A_101, %parallel_loop3A_104 : vector<32xbf16>
        %parallel_loop3A_106 = arith.constant 0.000000e+00 : bf16
        %parallel_loop3A_107 = vector.broadcast %parallel_loop3A_106 : bf16 to vector<32xbf16>
        %parallel_loop3A_108 = arith.maximumf %parallel_loop3A_105, %parallel_loop3A_107 : vector<32xbf16>
        %parallel_loop3A_109 = tpu.unpack_subelements %parallel_loop3A_108, 0 {pack_format = #tpu.pack_format<interleaved>} : vector<32xbf16> -> vector<16xf32>
        %parallel_loop3A_110 = tpu.unpack_subelements %parallel_loop3A_108, 1 {pack_format = #tpu.pack_format<interleaved>} : vector<32xbf16> -> vector<16xf32>
        %parallel_loop3A_111 = arith.addi %add3A_85, %parallel_loop3A_94 : vector<16xi32>
        tpu.vector_store_idx %arg11[%parallel_loop3A_111], %parallel_loop3A_109 : memref<16384xf32, #tpu.memory_space<vmem>>[vector<16xi32>], vector<16xf32>,
        %parallel_loop3A_112 = arith.constant 64 : i32
        %parallel_loop3A_113 = vector.broadcast %parallel_loop3A_112 : i32 to vector<16xi32>
        %parallel_loop3A_114 = arith.addi %parallel_loop3A_111, %parallel_loop3A_113 : vector<16xi32>
        tpu.vector_store_idx %arg11[%parallel_loop3A_114], %parallel_loop3A_110 : memref<16384xf32, #tpu.memory_space<vmem>>[vector<16xi32>], vector<16xf32>,
      } {sc.loop_unroll_factor = 4 : i64, sc.parallel_access}
      %scan3A_88 = arith.constant 0 : i32
      scf.yield %scan3A_88 : i32
    }
    %scan3A_57 = arith.constant 8 : i32
    %add3A_58 = arith.constant 384 : i32
    %add3A_59 = arith.addi %mul3A_2, %add3A_58 : i32
    %mul3A_60 = arith.constant 128 : i32
    %mul3A_61 = arith.muli %add3A_59, %mul3A_60 : i32
    %dma_start3A_62 = tpu.memref_slice %arg4[%mul3A_61] : memref<2097152xf32, #tpu.memory_space<hbm>> -> memref<16384xf32, #tpu.memory_space<hbm>>
    %dma_start3A_63 = tpu.memref_slice %arg4[%mul3A_61] : memref<2097152xf32, #tpu.memory_space<hbm>> -> memref<16384xf32, #tpu.memory_space<hbm>>
    tpu.enqueue_dma source(%arg11 : memref<16384xf32, #tpu.memory_space<vmem>>) target(%dma_start3A_63 : memref<16384xf32, #tpu.memory_space<hbm>>) target_semaphore(%arg14 : memref<!tpu.dma_semaphore, #tpu.memory_space<semaphore_mem>>)
    %dma_wait3A_64 = tpu.memref_slice %arg4[%mul3A_46] : memref<2097152xf32, #tpu.memory_space<hbm>> -> memref<16384xf32, #tpu.memory_space<hbm>>
    %dma_wait3A_65 = tpu.memref_slice %arg4[%mul3A_46] : memref<2097152xf32, #tpu.memory_space<hbm>> -> memref<16384xf32, #tpu.memory_space<hbm>>
    tpu.wait_dma2 semaphore(%arg13 : memref<!tpu.dma_semaphore, #tpu.memory_space<semaphore_mem>>) src(%arg10 : memref<16384xf32, #tpu.memory_space<vmem>>) dst(%dma_wait3A_65 : memref<16384xf32, #tpu.memory_space<hbm>>)
    %dma_wait3A_66 = tpu.memref_slice %arg4[%mul3A_61] : memref<2097152xf32, #tpu.memory_space<hbm>> -> memref<16384xf32, #tpu.memory_space<hbm>>
    %dma_wait3A_67 = tpu.memref_slice %arg4[%mul3A_61] : memref<2097152xf32, #tpu.memory_space<hbm>> -> memref<16384xf32, #tpu.memory_space<hbm>>
    tpu.wait_dma2 semaphore(%arg14 : memref<!tpu.dma_semaphore, #tpu.memory_space<semaphore_mem>>) src(%arg11 : memref<16384xf32, #tpu.memory_space<vmem>>) dst(%dma_wait3A_67 : memref<16384xf32, #tpu.memory_space<hbm>>)
    return
  }
}

module attributes {stable_mosaic.version = 14 : i64} {
  func.func @_fuse_tables_kernel(%arg0: memref<288x256xf32, #tpu.memory_space<vmem>>, %arg1: memref<257x256xf32, #tpu.memory_space<vmem>>, %arg2: memref<257x256xf32, #tpu.memory_space<vmem>>, %arg3: memref<768x128xf32, #tpu.memory_space<vmem>>, %arg4: memref<1x128xf32, #tpu.memory_space<vmem>>, %arg5: memref<832x64xi32, #tpu.memory_space<vmem>>) attributes {dimension_semantics = [], scalar_prefetch = 0 : i64, scratch_operands = 0 : i64, tpu.core_type = #tpu.core_type<tc>} {
    %get3A = arith.constant 0 : index
    %get3A_0 = arith.constant 0 : index
    %get3A_1 = vector.load %arg0[%get3A, %get3A_0] : memref<288x256xf32, #tpu.memory_space<vmem>>, vector<288x256xf32>
    %get3A_2 = arith.constant 0 : index
    %get3A_3 = arith.constant 0 : index
    %get3A_4 = vector.load %arg3[%get3A_2, %get3A_3] : memref<768x128xf32, #tpu.memory_space<vmem>>, vector<256x128xf32>
    %dot_general3A = arith.constant dense<0.000000e+00> : vector<288x128xf32>
    %dot_general3A_5 = tpu.matmul %get3A_1, %get3A_4, %dot_general3A {dimension_numbers = #tpu.dot_dimension_numbers<[1], [0], [0], [1], [0, 0, 1, 1], [], []>, transpose_lhs_hint = false} : vector<288x256xf32>, vector<256x128xf32>, vector<288x128xf32> -> vector<288x128xf32>
    %get3A_6 = arith.constant 0 : index
    %get3A_7 = arith.constant 0 : index
    %get3A_8 = vector.load %arg4[%get3A_6, %get3A_7] : memref<1x128xf32, #tpu.memory_space<vmem>>, vector<1x128xf32>
    %add3A = vector.broadcast %get3A_8 : vector<1x128xf32> to vector<288x128xf32>
    %add3A_9 = arith.addf %dot_general3A_5, %add3A : vector<288x128xf32>
    %convert_element_type3A = arith.truncf %add3A_9 : vector<288x128xf32> to vector<288x128xbf16>
    %slice3A = vector.extract_strided_slice %convert_element_type3A {offsets = [0, 0], sizes = [288, 64], strides = [1, 1]} : vector<288x128xbf16> to vector<288x64xbf16>
    %bitcast_convert_type3A = tpu.bitcast %slice3A : vector<288x64xbf16> -> vector<288x64xi16>
    %convert_element_type3A_10 = arith.extui %bitcast_convert_type3A : vector<288x64xi16> to vector<288x64xi32>
    %slice3A_11 = vector.extract_strided_slice %convert_element_type3A {offsets = [0, 64], sizes = [288, 64], strides = [1, 1]} : vector<288x128xbf16> to vector<288x64xbf16>
    %bitcast_convert_type3A_12 = tpu.bitcast %slice3A_11 : vector<288x64xbf16> -> vector<288x64xi16>
    %convert_element_type3A_13 = arith.extui %bitcast_convert_type3A_12 : vector<288x64xi16> to vector<288x64xi32>
    %shift_left3A = arith.constant 16 : i32
    %shift_left3A_14 = vector.broadcast %shift_left3A : i32 to vector<288x64xi32>
    %shift_left3A_15 = arith.shli %convert_element_type3A_13, %shift_left3A_14 : vector<288x64xi32>
    %or3A = arith.ori %convert_element_type3A_10, %shift_left3A_15 : vector<288x64xi32>
    %bitcast_convert_type3A_16 = tpu.bitcast %or3A : vector<288x64xi32> -> vector<288x64xi32>
    %swap3A = arith.constant 0 : index
    %swap3A_17 = arith.constant 0 : index
    %swap3A_18 = vector.load %arg5[%swap3A, %swap3A_17] : memref<832x64xi32, #tpu.memory_space<vmem>>, vector<288x64xi32>
    tpu.vector_store %arg5[%swap3A, %swap3A_17], %bitcast_convert_type3A_16 {strides = array<i32>} : memref<832x64xi32, #tpu.memory_space<vmem>>, vector<288x64xi32>,
    %get3A_19 = arith.constant 0 : index
    %get3A_20 = arith.constant 0 : index
    %get3A_21 = vector.load %arg1[%get3A_19, %get3A_20] : memref<257x256xf32, #tpu.memory_space<vmem>>, vector<257x256xf32>
    %get3A_22 = arith.constant 256 : index
    %get3A_23 = arith.constant 0 : index
    %get3A_24 = vector.load %arg3[%get3A_22, %get3A_23] : memref<768x128xf32, #tpu.memory_space<vmem>>, vector<256x128xf32>
    %dot_general3A_25 = arith.constant dense<0.000000e+00> : vector<257x128xf32>
    %dot_general3A_26 = tpu.matmul %get3A_21, %get3A_24, %dot_general3A_25 {dimension_numbers = #tpu.dot_dimension_numbers<[1], [0], [0], [1], [0, 0, 1, 1], [], []>, transpose_lhs_hint = false} : vector<257x256xf32>, vector<256x128xf32>, vector<257x128xf32> -> vector<257x128xf32>
    %convert_element_type3A_27 = arith.truncf %dot_general3A_26 : vector<257x128xf32> to vector<257x128xbf16>
    %slice3A_28 = vector.extract_strided_slice %convert_element_type3A_27 {offsets = [0, 0], sizes = [257, 64], strides = [1, 1]} : vector<257x128xbf16> to vector<257x64xbf16>
    %bitcast_convert_type3A_29 = tpu.bitcast %slice3A_28 : vector<257x64xbf16> -> vector<257x64xi16>
    %convert_element_type3A_30 = arith.extui %bitcast_convert_type3A_29 : vector<257x64xi16> to vector<257x64xi32>
    %slice3A_31 = vector.extract_strided_slice %convert_element_type3A_27 {offsets = [0, 64], sizes = [257, 64], strides = [1, 1]} : vector<257x128xbf16> to vector<257x64xbf16>
    %bitcast_convert_type3A_32 = tpu.bitcast %slice3A_31 : vector<257x64xbf16> -> vector<257x64xi16>
    %convert_element_type3A_33 = arith.extui %bitcast_convert_type3A_32 : vector<257x64xi16> to vector<257x64xi32>
    %shift_left3A_34 = arith.constant 16 : i32
    %shift_left3A_35 = vector.broadcast %shift_left3A_34 : i32 to vector<257x64xi32>
    %shift_left3A_36 = arith.shli %convert_element_type3A_33, %shift_left3A_35 : vector<257x64xi32>
    %or3A_37 = arith.ori %convert_element_type3A_30, %shift_left3A_36 : vector<257x64xi32>
    %bitcast_convert_type3A_38 = tpu.bitcast %or3A_37 : vector<257x64xi32> -> vector<257x64xi32>
    %swap3A_39 = arith.constant 288 : index
    %swap3A_40 = arith.constant 0 : index
    %swap3A_41 = vector.load %arg5[%swap3A_39, %swap3A_40] : memref<832x64xi32, #tpu.memory_space<vmem>>, vector<257x64xi32>
    tpu.vector_store %arg5[%swap3A_39, %swap3A_40], %bitcast_convert_type3A_38 {strides = array<i32>} : memref<832x64xi32, #tpu.memory_space<vmem>>, vector<257x64xi32>,
    %get3A_42 = arith.constant 0 : index
    %get3A_43 = arith.constant 0 : index
    %get3A_44 = vector.load %arg2[%get3A_42, %get3A_43] : memref<257x256xf32, #tpu.memory_space<vmem>>, vector<257x256xf32>
    %get3A_45 = arith.constant 512 : index
    %get3A_46 = arith.constant 0 : index
    %get3A_47 = vector.load %arg3[%get3A_45, %get3A_46] : memref<768x128xf32, #tpu.memory_space<vmem>>, vector<256x128xf32>
    %dot_general3A_48 = arith.constant dense<0.000000e+00> : vector<257x128xf32>
    %dot_general3A_49 = tpu.matmul %get3A_44, %get3A_47, %dot_general3A_48 {dimension_numbers = #tpu.dot_dimension_numbers<[1], [0], [0], [1], [0, 0, 1, 1], [], []>, transpose_lhs_hint = false} : vector<257x256xf32>, vector<256x128xf32>, vector<257x128xf32> -> vector<257x128xf32>
    %convert_element_type3A_50 = arith.truncf %dot_general3A_49 : vector<257x128xf32> to vector<257x128xbf16>
    %slice3A_51 = vector.extract_strided_slice %convert_element_type3A_50 {offsets = [0, 0], sizes = [257, 64], strides = [1, 1]} : vector<257x128xbf16> to vector<257x64xbf16>
    %bitcast_convert_type3A_52 = tpu.bitcast %slice3A_51 : vector<257x64xbf16> -> vector<257x64xi16>
    %convert_element_type3A_53 = arith.extui %bitcast_convert_type3A_52 : vector<257x64xi16> to vector<257x64xi32>
    %slice3A_54 = vector.extract_strided_slice %convert_element_type3A_50 {offsets = [0, 64], sizes = [257, 64], strides = [1, 1]} : vector<257x128xbf16> to vector<257x64xbf16>
    %bitcast_convert_type3A_55 = tpu.bitcast %slice3A_54 : vector<257x64xbf16> -> vector<257x64xi16>
    %convert_element_type3A_56 = arith.extui %bitcast_convert_type3A_55 : vector<257x64xi16> to vector<257x64xi32>
    %shift_left3A_57 = arith.constant 16 : i32
    %shift_left3A_58 = vector.broadcast %shift_left3A_57 : i32 to vector<257x64xi32>
    %shift_left3A_59 = arith.shli %convert_element_type3A_56, %shift_left3A_58 : vector<257x64xi32>
    %or3A_60 = arith.ori %convert_element_type3A_53, %shift_left3A_59 : vector<257x64xi32>
    %bitcast_convert_type3A_61 = tpu.bitcast %or3A_60 : vector<257x64xi32> -> vector<257x64xi32>
    %swap3A_62 = arith.constant 560 : index
    %swap3A_63 = arith.constant 0 : index
    %swap3A_64 = vector.load %arg5[%swap3A_62, %swap3A_63] : memref<832x64xi32, #tpu.memory_space<vmem>>, vector<257x64xi32>
    tpu.vector_store %arg5[%swap3A_62, %swap3A_63], %bitcast_convert_type3A_61 {strides = array<i32>} : memref<832x64xi32, #tpu.memory_space<vmem>>, vector<257x64xi32>,
    return
  }
}

module attributes {stable_mosaic.version = 14 : i64} {
  func.func @_mlp2_kernel(%arg0: i32, %arg1: memref<8192x128xf32, #tpu.memory_space<vmem>>, %arg2: memref<128x128xf32, #tpu.memory_space<vmem>>, %arg3: memref<1x128xf32, #tpu.memory_space<vmem>>, %arg4: memref<8192x128xf32, #tpu.memory_space<vmem>>) attributes {dimension_semantics = [#tpu.dimension_semantics<arbitrary>], iteration_bounds = array<i64: 2>, scalar_prefetch = 0 : i64, scratch_operands = 0 : i64, tpu.core_type = #tpu.core_type<tc>, window_params = [{transform_indices = @transform_0, window_bounds = array<i64: 8192, 128>}, {pipeline_mode = #tpu.pipeline_mode<synchronous>, transform_indices = @transform_1, window_bounds = array<i64: 128, 128>}, {pipeline_mode = #tpu.pipeline_mode<synchronous>, transform_indices = @transform_2, window_bounds = array<i64: 1, 128>}, {transform_indices = @transform_3, window_bounds = array<i64: 8192, 128>}]} {
    %get3A = arith.constant 0 : index
    %get3A_0 = arith.constant 0 : index
    %get3A_1 = vector.load %arg1[%get3A, %get3A_0] : memref<8192x128xf32, #tpu.memory_space<vmem>>, vector<8192x128xf32>
    %get3A_2 = arith.constant 0 : index
    %get3A_3 = arith.constant 0 : index
    %get3A_4 = vector.load %arg2[%get3A_2, %get3A_3] : memref<128x128xf32, #tpu.memory_space<vmem>>, vector<128x128xf32>
    %dot_general3A = arith.constant dense<0.000000e+00> : vector<8192x128xf32>
    %dot_general3A_5 = tpu.matmul %get3A_1, %get3A_4, %dot_general3A {dimension_numbers = #tpu.dot_dimension_numbers<[1], [0], [0], [1], [0, 0, 1, 1], [], []>, transpose_lhs_hint = false} : vector<8192x128xf32>, vector<128x128xf32>, vector<8192x128xf32> -> vector<8192x128xf32>
    %get3A_6 = arith.constant 0 : index
    %get3A_7 = arith.constant 0 : index
    %get3A_8 = vector.load %arg3[%get3A_6, %get3A_7] : memref<1x128xf32, #tpu.memory_space<vmem>>, vector<1x128xf32>
    %add3A = vector.broadcast %get3A_8 : vector<1x128xf32> to vector<8192x128xf32>
    %add3A_9 = arith.addf %dot_general3A_5, %add3A : vector<8192x128xf32>
    %swap3A = arith.constant 0 : index
    %swap3A_10 = arith.constant 0 : index
    %swap3A_11 = vector.load %arg4[%swap3A, %swap3A_10] : memref<8192x128xf32, #tpu.memory_space<vmem>>, vector<8192x128xf32>
    tpu.vector_store %arg4[%swap3A, %swap3A_10], %add3A_9 {strides = array<i32>} : memref<8192x128xf32, #tpu.memory_space<vmem>>, vector<8192x128xf32>,
    return
  }
  func.func @transform_0(%arg0: i32) -> (i32, i32) {
    %c0_i32 = arith.constant 0 : i32
    %c0_i32_0 = arith.constant 0 : i32
    return %arg0, %c0_i32 : i32, i32
  }
  func.func @transform_1(%arg0: i32) -> (i32, i32) {
    %c0_i32 = arith.constant 0 : i32
    %c0_i32_0 = arith.constant 0 : i32
    %c0_i32_1 = arith.constant 0 : i32
    return %c0_i32, %c0_i32_0 : i32, i32
  }
  func.func @transform_2(%arg0: i32) -> (i32, i32) {
    %c0_i32 = arith.constant 0 : i32
    %c0_i32_0 = arith.constant 0 : i32
    %c0_i32_1 = arith.constant 0 : i32
    return %c0_i32, %c0_i32_0 : i32, i32
  }
  func.func @transform_3(%arg0: i32) -> (i32, i32) {
    %c0_i32 = arith.constant 0 : i32
    %c0_i32_0 = arith.constant 0 : i32
    return %arg0, %c0_i32 : i32, i32
  }
}

</mosaic_0001>

<sc_bundles>
// kernel: kernel.5.cloned.1.call-start
scs
__scs_entry_jumppad:
0x0: {  	(pc) =	sbr.rel $0x88, $3  }
0x1: {  	(tag) =	ssettag $0x0;
	lr =	simm.s32 $0x1  }
0x2: {  	[smem:$0x3F99] =	sst lr;
	_ =	strace $0xD0000000  }
0x3: {  	_ = 	snop  }
0x4: {  	_ = 	snop  }
0x5: {  	_ = 	snop  }
0x6: {  	_ = 	snop  }
0x7: {  	_ = 	snop  }
__scs_overlays_trampoline_lowered:
0x8: {  	[smem:$0x3FA8] =	sst s0  }
0x9: {  	[smem:$0x3FA9] =	sst s1  }
0xa: {  	[smem:$0x3FAA] =	sst s2  }
0xb: {  	[smem:$0x3FAB] =	sst s3  }
0xc: {  	[smem:$0x3FAC] =	sst s4  }
0xd: {  	[smem:$0x3FAD] =	sst s5  }
0xe: {  	[smem:$0x3FAE] =	sst s6  }
0xf: {  	[smem:$0x3FAF] =	sst s7  }
0x10: {  	[smem:$0x3FB0] =	sst s8  }
0x11: {  	[smem:$0x3FB1] =	sst s9;
	s0 =	simm.s32 @!p0 $0x0  }
0x12: {  	s1 =	sld [smem:$0x3F97];
	s0 =	simm.s32 @p0 $0x1  }
0x13: {  	[smem:$0x3FB2] =	sst s0;
	s0 =	simm.s32 @!p1 $0x0  }
0x14: {  	s2 =	sld [smem:$0x3F96];
	s0 =	simm.s32 @p1 $0x1  }
0x15: {  	[smem:$0x3FB3] =	sst s0;
	s0 =	simm.s32 @!p2 $0x0  }
0x16: {  	s3 =	sld [smem:$0x3FDB];
	s0 =	simm.s32 @p2 $0x1  }
0x17: {  	s4 =	simm.s32 $0x1BF5;
	[smem:$0x3FB5] =	sst s0  }
0x18: {  	s0 =	sld [smem:$0x3F98];
	_ =	swait.ge [sflag:s4], $0x0  }
0x19: {  	s7 =	sld [smem:$0x3F99]  }
0x1a: {  	s8 =	sadd.s32 $0xFFFFE003, lr  }
0x1b: {  	s9 =	sadd.s32 $0xFFFFFEF7, lr;
	s5 =	simm.s32 $0xFFFFFFFF;
	p2 =	slt.u32 s8, $0xFFFFF086  }
0x1c: {  	p1 =	slt.u32 s9, $0xF7A;
	s5 =	simm.s32 @!p2 $0x0  }
0x1d: {  	s5 =	simm.s32 @p1 $0x1;
	p0 =	seq.s32 s7, s2  }
0x1e: {  	s7 =	smul.u32 @!p0 $0xF7A, s2;
	p2 =	seq.s32 @!p0 s5, $0x0  }
0x1f: {  	s9 =	smul.u32 $0xF7A, s1;
	s8 =	simm.s32 @!p0 $0x1BF5;
	p2 =	por !p2, p0  }
0x20: {  	[sflag:s8] =	ssyncset.s32 @!p0 $0xFFFFF086;
	s6 =	sadd.s32 @!p0 s3, s7;
	s7 =	simm.s32 @!p0 $0x108  }
0x21: {  	s3 =	sadd.s32 s3, s9;
	s6 =	sadd.s32 @!p0 $0x88, s6;
	s7 =	simm.s32 @p2 $0x1082  }
0x22: {  	[simem:s7], [sflag:s8] =	dma.local @!p0 [hbm:s6], $0xF7A  }
0x23: {  	s9 =	sor.u32 $0xD0000000, s2;
	s6 =	simm.s32 $0x108;
	_ =	swait.ge @!p0 [sflag:s8], $0x0  }
0x24: {  	s3 =	sadd.s32 $0x88, s3;
	s6 =	simm.s32 @!p1 $0x1082;
	[sflag:s4] =	ssyncset.s32 $0xFFFFF086  }
0x25: {  	[simem:s6], [sflag:s4] =	dma.local [hbm:s3], $0xF7A  }
0x26: {  	[smem:$0x3F99] =	sst s1;
	(tag) =	ssettag s2;
	_ =	strace s9  }
0x27: {  	s1 =	sld [smem:$0x3FA9]  }
0x28: {  	s2 =	sld [smem:$0x3FAA]  }
0x29: {  	s4 =	sld [smem:$0x3FAC]  }
0x2a: {  	p0 =	seq.s32 s5, $0x0;
	s5 =	sld [smem:$0x3FAD]  }
0x2b: {  	s6 =	sld [smem:$0x3FAE]  }
0x2c: {  	s7 =	sld [smem:$0x3FAF]  }
0x2d: {  	s3 =	simm.s32 $0x108;
	s8 =	sld [smem:$0x3FB0]  }
0x2e: {  	s3 =	simm.s32 @!p0 $0x1082;
	s9 =	sld [smem:$0x3FB1]  }
0x2f: {  	lr =	sadd.s32 s0, s3;
	s0 =	sld [smem:$0x3FA8]  }
0x30: {  	s3 =	sld [smem:$0x3FAB]  }
0x31: {  	[smem:$0x3FB4] =	sst s10  }
0x32: {  	s10 =	sld [smem:$0x3FB2];
	_ =	sdelay $0x3  }
0x33: {  	p0 =	seq.s32 s10, $0x1;
	s10 =	sld [smem:$0x3FB4];
	_ =	sdelay $0x3  }
0x34: {  	[smem:$0x3FB4] =	sst s10  }
0x35: {  	s10 =	sld [smem:$0x3FB3];
	_ =	sdelay $0x3  }
0x36: {  	p1 =	seq.s32 s10, $0x1;
	s10 =	sld [smem:$0x3FB4];
	_ =	sdelay $0x3  }
0x37: {  	[smem:$0x3FB4] =	sst s10  }
0x38: {  	s10 =	sld [smem:$0x3FB5]  }
0x39: {  	_ = 	snop;
	(pc) =	sbr.ind lr, $3  }
0x3a: {  	_ = 	snop  }
0x3b: {  	_ = 	snop  }
0x3c: {  	p2 =	seq.s32 s10, $0x1;
	s10 =	sld [smem:$0x3FB4]  }
0x3d: {  	_ =	shalt  }
0x3e: {  	_ =	shalt  }
0x3f: {  	_ =	shalt  }
0x40: {  	_ =	shalt  }
0x41: {  	_ =	shalt  }
0x42: {  	_ =	shalt  }
0x43: {  	_ =	shalt  }
0x44: {  	_ =	shalt  }
0x45: {  	_ =	shalt  }
0x46: {  	_ =	shalt  }
0x47: {  	_ =	shalt  }
0x48: {  	_ =	shalt  }
0x49: {  	_ =	shalt  }
0x4a: {  	_ =	shalt  }
0x4b: {  	_ =	shalt  }
0x4c: {  	_ =	shalt  }
0x4d: {  	_ =	shalt  }
0x4e: {  	_ =	shalt  }
0x4f: {  	_ =	shalt  }
0x50: {  	_ =	shalt  }
0x51: {  	_ =	shalt  }
0x52: {  	_ =	shalt  }
0x53: {  	_ =	shalt  }
0x54: {  	_ =	shalt  }
0x55: {  	_ =	shalt  }
0x56: {  	_ =	shalt  }
0x57: {  	_ =	shalt  }
0x58: {  	_ =	shalt  }
0x59: {  	_ =	shalt  }
0x5a: {  	_ =	shalt  }
0x5b: {  	_ =	shalt  }
0x5c: {  	_ =	shalt  }
0x5d: {  	_ =	shalt  }
0x5e: {  	_ =	shalt  }
0x5f: {  	_ =	shalt  }
0x60: {  	_ =	shalt  }
0x61: {  	_ =	shalt  }
0x62: {  	_ =	shalt  }
0x63: {  	_ =	shalt  }
0x64: {  	_ =	shalt  }
0x65: {  	_ =	shalt  }
0x66: {  	_ =	shalt  }
0x67: {  	_ =	shalt  }
0x68: {  	_ =	shalt  }
0x69: {  	_ =	shalt  }
0x6a: {  	_ =	shalt  }
0x6b: {  	_ =	shalt  }
0x6c: {  	_ =	shalt  }
0x6d: {  	_ =	shalt  }
0x6e: {  	_ =	shalt  }
0x6f: {  	_ =	shalt  }
0x70: {  	_ =	shalt  }
0x71: {  	_ =	shalt  }
0x72: {  	_ =	shalt  }
0x73: {  	_ =	shalt  }
0x74: {  	_ =	shalt  }
0x75: {  	_ =	shalt  }
0x76: {  	_ =	shalt  }
0x77: {  	_ =	shalt  }
0x78: {  	_ =	shalt  }
0x79: {  	_ =	shalt  }
0x7a: {  	_ =	shalt  }
0x7b: {  	_ =	shalt  }
0x7c: {  	_ =	shalt  }
0x7d: {  	_ =	shalt  }
0x7e: {  	_ =	shalt  }
0x7f: {  	_ =	shalt  }
0x80: {  	_ =	shalt  }
0x81: {  	_ =	shalt  }
0x82: {  	_ =	shalt  }
0x83: {  	_ =	shalt  }
0x84: {  	_ =	shalt  }
0x85: {  	_ =	shalt  }
0x86: {  	_ =	shalt  }
0x87: {  	_ =	shalt  }
.Lfunc_end0:
.L_simem_size_0:
called_computation_lowered:
.L_overlay_start_0:
0x88: {  	s2 =	sld [smem:$0x3FD9]  }
0x89: {  	s3 =	sld [smem:$0x3FFE];
	_ =	sdelay $0x1  }
0x8a: {  	s1 =	srdreg.scid  }
0x8b: {  	s0 =	sand.u32 $0x1, s1  }
0x8c: {  	s17 =	sshll.u32 s0, $0xA;
	s2 =	sadd.s32 s3, s2  }
0x8d: {  	s2 =	sadd.s32 s2, s17  }
0x8e: {  	[smem:$0x3FC0] =	sst s2  }
0x8f: {  	_ = 	snop  }
0x90: {  	s2 =	sld [smem:$0x3FD0];
	(tm) =	ssettm $0x1  }
0x91: {  	s18 =	sld [smem:$0x3FFB];
	_ =	sdelay $0x3  }
0x92: {  	_ =	strace s18  }
0x93: {  	s3 =	sld [smem:$0x3FFC];
	_ =	sdelay $0x3  }
0x94: {  	_ =	strace s3  }
0x95: {  	s3 =	sld [smem:$0x3FFD];
	_ =	sdelay $0x3  }
0x96: {  	_ =	strace s3  }
0x97: {  	_ =	strace $0x8FFFFFFF  }
0x98: {  	s19 =	sld [smem:$0x3FDB];
	_ =	sdelay $0x1  }
0x99: {  	s4 =	simm.s32 $_scs_section_size  }
0x9a: {  	s5 =	simm.s32 $_size__tile_overlayer_lowered;
	s6 =	simm.s32 $_tile_overlayer_lowered  }
0x9b: {  	s22 =	simm.s32 $0x1BFF;
	s21 =	sshll.u32 s6, $0x1;
	s3 =	sadd.s32 s4, s19  }
0x9c: {  	s7 =	simm.s32 $0x0;
	s20 =	sshll.u32 s5, $0x1;
	s5 =	sadd.s32 s21, s3  }
0x9d: {  	[timem:s7], [sflag:s22] =	dma.local [hbm:s5], s20  }
0x9e: {  	_ =	swait.ge [sflag:s22], s20  }
0x9f: {  	s4 =	ssub.s32 $0x0, s20;
	[sflag:s22] =	ssyncset.done $0x0  }
0xa0: {  	[sflag:s22] =	ssyncadd.s32 s4;
	_ =	sdelay $0x1  }
0xa1: {  	s23 =	simm.s32 $0x1B8B  }
0xa2: {  	_ =	swait.ge [sflag:s23], $0x1  }
0xa3: {  	[sflag:s23] =	ssyncset.done $0x0  }
0xa4: {  	s25 =	simm.s32 $0x1B8E;
	s24 =	sld [smem:$0x3FFE];
	[sflag:s23] =	ssyncadd.s32 $0xFFFFFFFF  }
0xa5: {  	s26 =	simm.s32 $execute0_lowered;
	[smem:$0x3FD2] =	sst s25  }
0xa6: {  	s5 =	sshll.u32 s26, $0x1;
	_ =	strace $0x80000046;
	[dreg:$0x1] =	wrdreg $0xFFFFFFFF  }
0xa7: {  	s28 =	simm.s32 $_size_execute0_lowered;
	s3 =	sadd.s32 s3, s5;
	[dreg:$0x0] =	wrdreg $0x0  }
0xa8: {  	s5 =	sshll.u32 s28, $0x1;
	[dreg:$0x2] =	wrdreg s3  }
0xa9: {  	[dreg:$0x3] =	wrdreg s5  }
0xaa: {  	[dreg:$0x4] =	wrdreg $0xC0  }
0xab: {  	_ =	task [dreg:s7], $0x5FFFF  }
0xac: {  	[dreg:$0x1] =	wrdreg $0xFFFFFFFF  }
0xad: {  	[dreg:$0x0] =	wrdreg $0x60  }
0xae: {  	[dreg:$0x2] =	wrdreg s24  }
0xaf: {  	[dreg:$0x3] =	wrdreg s2  }
0xb0: {  	[dreg:$0x4] =	wrdreg $0xD0000  }
0xb1: {  	[dreg:$0x5] =	wrdreg $0x9  }
0xb2: {  	_ =	task.clear_ibuf [dreg:s7], $0x6FFFF;
	_ =	strace $0x90000046  }
0xb3: {  	s29 =	simm.s32 $0x9;
	_ =	strace $0x80000048  }
0xb4: {  	_ =	swait.ge [sflag:s29], $0x1  }
0xb5: {  	[sflag:s29] =	ssyncadd.s32 $0xFFFFFFFF  }
0xb6: {  	_ =	strace $0x90000048  }
0xb7: {  	_ =	sfence  }
0xb8: {  	s30 =	sld [smem:$0x0];
	_ =	sdelay $0x2  }
0xb9: {  	s31 =	sshll.u32 s1, $0xD;
	s1 =	sshrl.u32 s1, $0x2  }
0xba: {  	s3 =	sand.u32 $0x4000, s31;
	s1 =	sadd.s32 s1, s30  }
0xbb: {  	s0 =	sor.u32 s3, s0;
	s1 =	sshll.u32 s1, $0x11  }
0xbc: {  	s0 =	sor.u32 s1, s0  }
0xbd: {  	s0 =	sadd.s32 $0x8F2B, s0  }
0xbe: {  	[sflag:s0] =	ssyncadd.remote.s32 $0x1  }
0xbf: {  	_ =	sfence.sel $0xFFFF  }
0xc0: {  	[dreg:$0x0] =	wrdreg $0xFFFFFFFF;
	(pc) =	sbr.abs _section_cstart, $3  }
0xc1: {  	[dreg:$0x1] =	wrdreg $0xFFFFFFFF  }
0xc2: {  	_ =	task.clear_ibuf [dreg:s7], $0x2FFFF;
	_ =	strace $0x9FFFFFFF  }
0xc3: {  	(tm) =	ssettm $0x7FFFFFFF  }
tec
execute0_lowered:
.L_overlay_start_1:
0x0: {  	(tag) =	ssettag $0x1  }
0x1: {  	s4 =	rddreg [dreg:$0x0]  }
0x2: {  	s7 =	rddreg [dreg:$0x1]  }
0x3: {  	s1 =	rddreg [dreg:$0x2]  }
0x4: {  	s0 =	rddreg [dreg:$0x3];
	s3 =	srdreg.scid  }
0x5: {  	s10 =	stileid.u32;
	s2 =	simm.s32 $0x0;
	s13 =	simm.s32 $0xDD00  }
0x6: {  	s14 =	simm.s32 $0x3;
	s15 =	simm.s32 $0xDF00;
	s16 =	simm.s32 $0xE100  }
0x7: {  	s17 =	simm.s32 $0xE300;
	s18 =	simm.s32 $0x12300;
	s19 =	simm.s32 $0x1  }
0x8: {  	s20 =	simm.s32 $0x2;
	s21 =	simm.s32 $0x0;
	s3 =	sand.u32 $0x1, s3  }
0x9: {  	s5 =	sshll.u32 s10, $0x1;
	[smem:$0x7FF] =	sst s2;
	p0 =	sne.s32 s10, $0x0  }
0xa: {  	s5 =	sor.u32 s3, s5;
	_ =	strace $0x80000047;
	s8 =	ssub.s32 $0x2, s3  }
0xb: {  	s3 =	sadd.s32 $0x2C00, s4;
	s12 =	sshrl.u32 @!p0 s1, $0x3;
	s6 =	sshll.u32 s5, $0x6  }
0xc: {  	v0 =	vlaneseq.u32;
	s30 =	sshrl.u32 s8, $0x1;
	s31 =	sshll.u32 s5, $0xD;
	s6 =	sadd.s32 s6, s4  }
0xd: {  	v1 =	vmul.u32 $0x80, v0;
	s11 =	ssub.s32 s8, s30;
	s7 =	sadd.s32 s7, s31;
	s4 =	sadd.s32 $0x1400, s6  }
0xe: {  	s5 =	sadd.s32 $0x1C00, s6;
	s6 =	sadd.s32 $0x2400, s6;
	s8 =	sadd.s32 $0x800, s7  }
0xf: {  	v3 =	vimm.bf16 $0.0e+00;
	v2 =	vor.u32 $0x40, v1;
	s9 =	sadd.s32 $0x1000, s7;
	s10 =	sadd.s32 $0x1800, s7;
	s11 =	smax.u32 s11, $0x1  }
.LBB2_1:
0x10: {  	s22 =	simm.s32 @!p0 $0x1C03  }
0x11: {  	[spmem:s12], [sflag:s22] =	dma.local @!p0 [hbm:s3], $0x1A00  }
0x12: {  	s22 =	simm.s32 @!p0 $0x3  }
0x13: {  	_ =	swait.ge @!p0 [sflag:s22], $0x1A00  }
0x14: {  	[sflag:s22] =	ssyncset.done @!p0 $0x0  }
0x15: {  	[sflag:s22] =	ssyncadd.s32 @!p0 $0xFFFFE600  }
0x16: {  	[tilespmem:s13], [sflag:$0x3] =	stream.linear.gather [hbm4b:s4+s2], $0x200, $0x38;
	[tilespmem:$0x16300] =	vst v63  }
0x17: {  	_ =	swait.ge [sflag:s14], $0x200  }
0x18: {  	[sflag:s14] =	ssyncset.done $0x0  }
0x19: {  	[sflag:s14] =	ssyncadd.s32 $0xFFFFFE00  }
0x1a: {  	[tilespmem:s15], [sflag:$0x3] =	stream.linear.gather [hbm4b:s5+s2], $0x200, $0x38;
	[tilespmem:$0x16300] =	vst v63  }
0x1b: {  	_ =	swait.ge [sflag:s14], $0x200  }
0x1c: {  	[sflag:s14] =	ssyncset.done $0x0  }
0x1d: {  	[sflag:s14] =	ssyncadd.s32 $0xFFFFFE00  }
0x1e: {  	[tilespmem:s16], [sflag:$0x3] =	stream.linear.gather [hbm4b:s6+s2], $0x200, $0x38;
	[tilespmem:$0x16300] =	vst v63  }
0x1f: {  	_ =	swait.ge [sflag:s14], $0x200  }
0x20: {  	[sflag:s14] =	ssyncset.done $0x0  }
0x21: {  	[sflag:s14] =	ssyncadd.s32 $0xFFFFFE00  }
0x22: {  	[bflag:$0x0] =	sbarrier.arrive $0xFFFF  }
0x23: {  	[tilespmem:s2], [sflag:$0x3] =	stream.linear.gather [spmem:s1], $0xD000, $0x38;
	[tilespmem:$0x16300] =	vst v63  }
0x24: {  	_ =	swait.ge [sflag:s14], $0xD000  }
0x25: {  	[sflag:s14] =	ssyncset.done $0x0  }
0x26: {  	s22 =	simm.s32 $0x0;
	[sflag:s14] =	ssyncadd.s32 $0xFFFF3000  }
.LBB2_2:
0x27: {  	s23 =	sshll.u32 s22, $0x4  }
0x28: {  	v7 =	vld [tilespmem:s23+$0xDD00]  }
0x29: {  	v8 =	vld [tilespmem:s23+$0xDF00]  }
0x2a: {  	s24 =	simm.s32 $0x0;
	v6 =	vld [tilespmem:s23+$0xE100]  }
0x2b: {  	v9 =	vadd.s32 s24, v0  }
0x2c: {  	v10 =	vand.u32 $0x3F, v9  }
0x2d: {  	s31 =	simm.s32 $0x3;
	v4 =	vadd.s32 v7, v10  }
0x2e: {  	v12 =	vadd.s32 s31, v0;
	s24 =	simm.s32 $0x2;
	v5 =	vadd.s32 v8, v10  }
0x2f: {  	v14 =	vand.u32 $0x3F, v12;
	v16 =	vadd.s32 s24, v0;
	v11 =	vadd.s32 v6, v10  }
0x30: {  	v19 =	vand.u32 $0x3F, v16;
	v13 =	vadd.s32 v7, v14  }
0x31: {  	v18 =	vadd.s32 v6, v19  }
0x32: {  	v15 =	vld.idx.msk [tilespmem:v4+s2+$0x0], $0xffff;
	v4 =	vadd.s32 v8, v14  }
0x33: {  	s25 =	simm.s32 $0x1;
	v17 =	vadd.s32 v6, v14;
	v5 =	vld.idx.msk [tilespmem:v5+s2+$0x0], $0xffff  }
0x34: {  	v23 =	vadd.s32 s25, v0;
	v24 =	vadd.s32 v8, v19;
	v20 =	vld.idx.msk [tilespmem:v11+s2+$0x0], $0xffff  }
0x35: {  	s28 =	simm.s32 $0x4;
	v25 =	vand.u32 $0x3F, v23;
	v21 =	vadd.s32 v7, v19;
	v22 =	vld.idx.msk [tilespmem:v13+s2+$0x0], $0xffff  }
0x36: {  	v27 =	vadd.s32 v7, v25;
	v11 =	vadd.s32 s28, v0;
	v29 =	vld.idx.msk [tilespmem:v18+s2+$0x0], $0xffff  }
0x37: {  	s26 =	sshll.u32 s22, $0xB;
	v28 =	vadd.s32 v8, v25;
	v18 =	vadd.s32 v6, v25;
	v13 =	vand.u32 $0x3F, v11;
	v26 =	vld.idx.msk [tilespmem:v4+s2+$0x0], $0xffff  }
0x38: {  	v17 =	vld.idx.msk [tilespmem:v17+s2+$0x0], $0xffff;
	v4 =	vor.u32 s26, v1;
	v15 =	vadd.bf16 v5, v15;
	v5 =	vor.u32 s26, v2  }
0x39: {  	s29 =	simm.s32 $0x7;
	v24 =	vld.idx.msk [tilespmem:v24+s2+$0x0], $0xffff;
	v32 =	vadd.s32 v8, v13;
	v30 =	vor.u32 v4, v10;
	v31 =	vor.u32 v9, v5  }
0x3a: {  	v9 =	vadd.s32 s29, v0;
	v34 =	vor.u32 v4, v14;
	v15 =	vadd.bf16 v20, v15;
	v20 =	vld.idx.msk [tilespmem:v21+s2+$0x0], $0xffff  }
0x3b: {  	v35 =	vor.u32 v12, v5;
	v23 =	vor.u32 v23, v5;
	v10 =	vand.u32 $0x3F, v9  }
0x3c: {  	v28 =	vld.idx.msk [tilespmem:v28+s2+$0x0], $0xffff;
	v21 =	vadd.s32 v7, v13;
	v36 =	vadd.s32 v7, v10;
	v22 =	vadd.bf16 v26, v22  }
0x3d: {  	v37 =	vadd.s32 v8, v10;
	v15 =	vmax.bf16 v15, v3;
	v26 =	vld.idx.msk [tilespmem:v27+s2+$0x0], $0xffff;
	v27 =	vadd.s32 v6, v13  }
0x3e: {  	v33 =	vunpack.i.u.bf16.f32 v15;
	v14 =	vunpack.i.l.bf16.f32 v15;
	v22 =	vadd.bf16 v17, v22  }
0x3f: {  	v15 =	vld.idx.msk [tilespmem:v18+s2+$0x0], $0xffff;
	[tilespmem:v30+s17+$0x0] =	vst.idx.msk $0xffff, v14;
	v17 =	vadd.s32 v6, v10;
	v20 =	vadd.bf16 v24, v20  }
0x40: {  	[tilespmem:v31+s17+$0x0] =	vst.idx.msk $0xffff, v33;
	v31 =	vor.u32 v4, v19;
	v12 =	vmax.bf16 v22, v3  }
0x41: {  	s30 =	simm.s32 $0x6;
	v18 =	vld.idx.msk [tilespmem:v21+s2+$0x0], $0xffff;
	v19 =	vor.u32 v16, v5;
	v24 =	vadd.bf16 v29, v20;
	v21 =	vunpack.i.l.bf16.f32 v12  }
0x42: {  	v30 =	vunpack.i.u.bf16.f32 v12;
	v12 =	vadd.s32 s30, v0;
	v16 =	vadd.bf16 v28, v26;
	[tilespmem:v34+s17+$0x0] =	vst.idx.msk $0xffff, v21;
	v21 =	vld.idx.msk [tilespmem:v32+s2+$0x0], $0xffff  }
0x43: {  	v22 =	vor.u32 v4, v25;
	v14 =	vand.u32 $0x3F, v12;
	v62 =	vmax.bf16 v24, v3  }
0x44: {  	s31 =	simm.s32 $0x5;
	v25 =	vld.idx.msk [tilespmem:v27+s2+$0x0], $0xffff;
	v20 =	vadd.s32 v7, v14;
	v26 =	vadd.s32 v6, v14;
	v29 =	vadd.bf16 v15, v16  }
0x45: {  	v28 =	vld.idx.msk [tilespmem:v37+s2+$0x0], $0xffff;
	v15 =	vadd.s32 s31, v0;
	v27 =	vadd.s32 v8, v14;
	v63 =	vunpack.i.l.bf16.f32 v62;
	[tilespmem:v35+s17+$0x0] =	vst.idx.msk $0xffff, v30  }
0x46: {  	s23 =	simm.s32 $0x8;
	v24 =	vld.idx.msk [tilespmem:v36+s2+$0x0], $0xffff;
	v30 =	vunpack.i.u.bf16.f32 v62;
	v16 =	vand.u32 $0x3F, v15;
	[tilespmem:v31+s17+$0x0] =	vst.idx.msk $0xffff, v63;
	v29 =	vmax.bf16 v29, v3  }
.LBB2_3:
0x47: {  	p1 =	slt.u32 s23, $0x3C;
	v18 =	vadd.bf16 v21, v18;
	v21 =	vadd.s32 v7, v16;
	v31 =	vunpack.i.l.bf16.f32 v29;
	[tilespmem:v19+s17+$0x0] =	vst.idx.msk $0xffff, v30  }
0x48: {  	v19 =	vadd.s32 v8, v16;
	v29 =	vunpack.i.u.bf16.f32 v29;
	v17 =	vld.idx.msk [tilespmem:v17+s2+$0x0], $0xffff;
	[tilespmem:v22+s17+$0x0] =	vst.idx.msk $0xffff, v31  }
0x49: {  	v22 =	vadd.s32 s23, v0;
	v26 =	vld.idx.msk [tilespmem:v26+s2+$0x0], $0xffff;
	[tilespmem:v23+s17+$0x0] =	vst.idx.msk $0xffff, v29  }
0x4a: {  	v23 =	vand.u32 $0x3F, v22;
	v18 =	vadd.bf16 v25, v18;
	v25 =	vadd.s32 v6, v16;
	v20 =	vld.idx.msk [tilespmem:v20+s2+$0x0], $0xffff  }
0x4b: {  	v30 =	vor.u32 v4, v13;
	v31 =	vor.u32 v11, v5;
	v29 =	vadd.s32 v7, v23;
	v27 =	vld.idx.msk [tilespmem:v27+s2+$0x0], $0xffff  }
0x4c: {  	s24 =	sadd.s32 $0x3, s23;
	v32 =	vadd.s32 v8, v23;
	v18 =	vmax.bf16 v18, v3;
	v33 =	vld.idx.msk [tilespmem:v21+s2+$0x0], $0xffff;
	v21 =	vadd.bf16 v28, v24  }
0x4d: {  	v11 =	vmovc v22;
	v13 =	vmovc v23;
	v24 =	vadd.s32 v6, v23;
	v28 =	vadd.s32 s24, v0;
	v34 =	vunpack.i.u.bf16.f32 v18;
	v35 =	vld.idx.msk [tilespmem:v19+s2+$0x0], $0xffff  }
0x4e: {  	v22 =	vor.u32 v4, v10;
	v10 =	vand.u32 $0x3F, v28;
	v19 =	vadd.bf16 v17, v21  }
0x4f: {  	v37 =	vor.u32 v9, v5;
	v23 =	vunpack.i.l.bf16.f32 v18;
	v9 =	vmovc v28;
	v17 =	vadd.s32 v6, v10;
	v36 =	vld.idx.msk [tilespmem:v25+s2+$0x0], $0xffff  }
0x50: {  	v28 =	vadd.s32 v7, v10;
	v18 =	vld.idx.msk [tilespmem:v29+s2+$0x0], $0xffff;
	v29 =	vadd.s32 v8, v10;
	v19 =	vmax.bf16 v19, v3  }
0x51: {  	s24 =	sadd.s32 $0x2, s23;
	v20 =	vadd.bf16 v27, v20;
	v21 =	vld.idx.msk [tilespmem:v32+s2+$0x0], $0xffff;
	[tilespmem:v30+s17+$0x0] =	vst.idx.msk $0xffff, v23;
	v30 =	vunpack.i.u.bf16.f32 v19;
	v23 =	vunpack.i.l.bf16.f32 v19  }
0x52: {  	v19 =	vor.u32 v12, v5;
	v12 =	vadd.s32 s24, v0;
	[tilespmem:v31+s17+$0x0] =	vst.idx.msk $0xffff, v34;
	v31 =	vor.u32 v4, v14  }
.Ltmp0:
0x53: {  	v14 =	vand.u32 $0x3F, v12;
	v27 =	vadd.bf16 v35, v33;
	v32 =	vadd.bf16 v26, v20;
	[tilespmem:v22+s17+$0x0] =	vst.idx.msk $0xffff, v23;
	(pc) =	sbr.rel @p1 .LBB2_3-.Ltmp0, $4  }
0x54: {  	v20 =	vadd.s32 v7, v14;
	v26 =	vadd.s32 v6, v14;
	v22 =	vor.u32 v4, v16  }
0x55: {  	s24 =	sadd.s32 $0x1, s23;
	v23 =	vor.u32 v15, v5;
	v33 =	vadd.bf16 v36, v27;
	v32 =	vmax.bf16 v32, v3;
	v25 =	vld.idx.msk [tilespmem:v24+s2+$0x0], $0xffff  }
0x56: {  	v15 =	vadd.s32 s24, v0;
	v27 =	vadd.s32 v8, v14;
	v34 =	vunpack.i.l.bf16.f32 v32;
	v24 =	vld.idx.msk [tilespmem:v28+s2+$0x0], $0xffff;
	[tilespmem:v37+s17+$0x0] =	vst.idx.msk $0xffff, v30  }
0x57: {  	s23 =	sadd.s32 $0x4, s23;
	v16 =	vand.u32 $0x3F, v15;
	v30 =	vunpack.i.u.bf16.f32 v32;
	v28 =	vld.idx.msk [tilespmem:v29+s2+$0x0], $0xffff;
	v29 =	vmax.bf16 v33, v3;
	[tilespmem:v31+s17+$0x0] =	vst.idx.msk $0xffff, v34  }
0x58: {  	_ =	sdelay $0x2  }
0x59: {  	v7 =	vadd.s32 v7, v16  }
0x5a: {  	v8 =	vadd.s32 v8, v16;
	v17 =	vld.idx.msk [tilespmem:v17+s2+$0x0], $0xffff  }
0x5b: {  	v26 =	vld.idx.msk [tilespmem:v26+s2+$0x0], $0xffff  }
0x5c: {  	v6 =	vadd.s32 v6, v16;
	v20 =	vld.idx.msk [tilespmem:v20+s2+$0x0], $0xffff  }
0x5d: {  	v18 =	vadd.bf16 v21, v18;
	v54 =	vld.idx.msk [tilespmem:v27+s2+$0x0], $0xffff  }
0x5e: {  	v13 =	vor.u32 v4, v13;
	v7 =	vld.idx.msk [tilespmem:v7+s2+$0x0], $0xffff  }
0x5f: {  	v53 =	vunpack.i.l.bf16.f32 v29;
	v11 =	vor.u32 v11, v5;
	v18 =	vadd.bf16 v25, v18;
	v8 =	vld.idx.msk [tilespmem:v8+s2+$0x0], $0xffff  }
0x60: {  	[tilespmem:v19+s17+$0x0] =	vst.idx.msk $0xffff, v30;
	v55 =	vunpack.i.u.bf16.f32 v29;
	v10 =	vor.u32 v4, v10;
	v24 =	vadd.bf16 v28, v24  }
0x61: {  	v9 =	vor.u32 v9, v5;
	[tilespmem:v22+s17+$0x0] =	vst.idx.msk $0xffff, v53;
	v18 =	vmax.bf16 v18, v3;
	v6 =	vld.idx.msk [tilespmem:v6+s2+$0x0], $0xffff  }
0x62: {  	[tilespmem:v23+s17+$0x0] =	vst.idx.msk $0xffff, v55;
	v56 =	vunpack.i.l.bf16.f32 v18;
	v57 =	vadd.bf16 v54, v20;
	v17 =	vadd.bf16 v17, v24  }
0x63: {  	v59 =	vor.u32 v4, v14;
	v12 =	vor.u32 v12, v5;
	v18 =	vunpack.i.u.bf16.f32 v18;
	[tilespmem:v13+s17+$0x0] =	vst.idx.msk $0xffff, v56  }
0x64: {  	v60 =	vadd.bf16 v26, v57;
	v17 =	vmax.bf16 v17, v3;
	v7 =	vadd.bf16 v8, v7  }
0x65: {  	v4 =	vor.u32 v4, v16;
	v5 =	vor.u32 v15, v5;
	s22 =	sadd.s32 $0x1, s22;
	[tilespmem:v11+s17+$0x0] =	vst.idx.msk $0xffff, v18;
	v58 =	vunpack.i.l.bf16.f32 v17  }
0x66: {  	p1 =	sne.s32 s22, $0x8;
	v61 =	vunpack.i.u.bf16.f32 v17;
	v62 =	vmax.bf16 v60, v3;
	[tilespmem:v10+s17+$0x0] =	vst.idx.msk $0xffff, v58;
	v6 =	vadd.bf16 v6, v7  }
.Ltmp1:
0x67: {  	v8 =	vunpack.i.l.bf16.f32 v62;
	[tilespmem:v9+s17+$0x0] =	vst.idx.msk $0xffff, v61;
	(pc) =	sbr.rel @p1 .LBB2_2-.Ltmp1, $4  }
0x68: {  	[tilespmem:v59+s17+$0x0] =	vst.idx.msk $0xffff, v8;
	v7 =	vunpack.i.u.bf16.f32 v62;
	v6 =	vmax.bf16 v6, v3  }
0x69: {  	[tilespmem:v12+s17+$0x0] =	vst.idx.msk $0xffff, v7;
	v63 =	vunpack.i.l.bf16.f32 v6  }
0x6a: {  	v6 =	vunpack.i.u.bf16.f32 v6;
	[tilespmem:v4+s17+$0x0] =	vst.idx.msk $0xffff, v63  }
0x6b: {  	[tilespmem:v5+s17+$0x0] =	vst.idx.msk $0xffff, v6  }
0x6c: {  	s22 =	simm.s32 $0x0;
	s23 =	simm.s32 $0x0  }
0x6d: {  	[hbm4b:s7+s22] =	stream.linear.scatter [tilespmem:s17], [sflag:$0x1], $0x4000, $0x38;
	[tilespmem:$0x16300] =	vst v63  }
.LBB2_6:
0x6e: {  	s24 =	sshll.u32 s23, $0x4  }
0x6f: {  	v7 =	vld [tilespmem:s24+$0xDD80]  }
0x70: {  	v8 =	vld [tilespmem:s24+$0xDF80]  }
0x71: {  	v6 =	vld [tilespmem:s24+$0xE180]  }
0x72: {  	v9 =	vadd.s32 s22, v0  }
0x73: {  	v10 =	vand.u32 $0x3F, v9  }
0x74: {  	s31 =	simm.s32 $0x3;
	v4 =	vadd.s32 v7, v10  }
0x75: {  	s25 =	simm.s32 $0x2;
	v12 =	vadd.s32 s31, v0;
	v5 =	vadd.s32 v8, v10  }
0x76: {  	v16 =	vadd.s32 s25, v0;
	v14 =	vand.u32 $0x3F, v12;
	v11 =	vadd.s32 v6, v10  }
0x77: {  	v19 =	vand.u32 $0x3F, v16;
	v13 =	vadd.s32 v7, v14  }
0x78: {  	v18 =	vadd.s32 v6, v19  }
0x79: {  	v15 =	vld.idx.msk [tilespmem:v4+s2+$0x0], $0xffff;
	v4 =	vadd.s32 v8, v14  }
0x7a: {  	s26 =	simm.s32 $0x1;
	v17 =	vadd.s32 v6, v14;
	v5 =	vld.idx.msk [tilespmem:v5+s2+$0x0], $0xffff  }
0x7b: {  	v23 =	vadd.s32 s26, v0;
	v24 =	vadd.s32 v8, v19;
	v20 =	vld.idx.msk [tilespmem:v11+s2+$0x0], $0xffff  }
0x7c: {  	s25 =	simm.s32 $0x4;
	v25 =	vand.u32 $0x3F, v23;
	v21 =	vadd.s32 v7, v19;
	v22 =	vld.idx.msk [tilespmem:v13+s2+$0x0], $0xffff  }
0x7d: {  	v27 =	vadd.s32 v7, v25;
	v11 =	vadd.s32 s25, v0;
	v29 =	vld.idx.msk [tilespmem:v18+s2+$0x0], $0xffff  }
0x7e: {  	s28 =	sshll.u32 s23, $0xB;
	v28 =	vadd.s32 v8, v25;
	v18 =	vadd.s32 v6, v25;
	v13 =	vand.u32 $0x3F, v11;
	v26 =	vld.idx.msk [tilespmem:v4+s2+$0x0], $0xffff  }
0x7f: {  	v17 =	vld.idx.msk [tilespmem:v17+s2+$0x0], $0xffff;
	v4 =	vor.u32 s28, v1;
	v15 =	vadd.bf16 v5, v15;
	v5 =	vor.u32 s28, v2  }
0x80: {  	s29 =	simm.s32 $0x7;
	v24 =	vld.idx.msk [tilespmem:v24+s2+$0x0], $0xffff;
	v32 =	vadd.s32 v8, v13;
	v30 =	vor.u32 v4, v10;
	v31 =	vor.u32 v9, v5  }
0x81: {  	v9 =	vadd.s32 s29, v0;
	v34 =	vor.u32 v4, v14;
	v15 =	vadd.bf16 v20, v15;
	v20 =	vld.idx.msk [tilespmem:v21+s2+$0x0], $0xffff  }
0x82: {  	v35 =	vor.u32 v12, v5;
	v23 =	vor.u32 v23, v5;
	v10 =	vand.u32 $0x3F, v9  }
0x83: {  	v28 =	vld.idx.msk [tilespmem:v28+s2+$0x0], $0xffff;
	v21 =	vadd.s32 v7, v13;
	v36 =	vadd.s32 v7, v10;
	v22 =	vadd.bf16 v26, v22  }
0x84: {  	v37 =	vadd.s32 v8, v10;
	v15 =	vmax.bf16 v15, v3;
	v26 =	vld.idx.msk [tilespmem:v27+s2+$0x0], $0xffff;
	v27 =	vadd.s32 v6, v13  }
0x85: {  	v33 =	vunpack.i.u.bf16.f32 v15;
	v14 =	vunpack.i.l.bf16.f32 v15;
	v22 =	vadd.bf16 v17, v22  }
0x86: {  	v15 =	vld.idx.msk [tilespmem:v18+s2+$0x0], $0xffff;
	[tilespmem:v30+s18+$0x0] =	vst.idx.msk $0xffff, v14;
	v17 =	vadd.s32 v6, v10;
	v20 =	vadd.bf16 v24, v20  }
0x87: {  	[tilespmem:v31+s18+$0x0] =	vst.idx.msk $0xffff, v33;
	v31 =	vor.u32 v4, v19;
	v12 =	vmax.bf16 v22, v3  }
0x88: {  	s30 =	simm.s32 $0x6;
	v18 =	vld.idx.msk [tilespmem:v21+s2+$0x0], $0xffff;
	v19 =	vor.u32 v16, v5;
	v24 =	vadd.bf16 v29, v20;
	v21 =	vunpack.i.l.bf16.f32 v12  }
0x89: {  	v30 =	vunpack.i.u.bf16.f32 v12;
	v12 =	vadd.s32 s30, v0;
	v16 =	vadd.bf16 v28, v26;
	[tilespmem:v34+s18+$0x0] =	vst.idx.msk $0xffff, v21;
	v21 =	vld.idx.msk [tilespmem:v32+s2+$0x0], $0xffff  }
0x8a: {  	v22 =	vor.u32 v4, v25;
	v14 =	vand.u32 $0x3F, v12;
	v62 =	vmax.bf16 v24, v3  }
0x8b: {  	s31 =	simm.s32 $0x5;
	v25 =	vld.idx.msk [tilespmem:v27+s2+$0x0], $0xffff;
	v20 =	vadd.s32 v7, v14;
	v26 =	vadd.s32 v6, v14;
	v29 =	vadd.bf16 v15, v16  }
0x8c: {  	v28 =	vld.idx.msk [tilespmem:v37+s2+$0x0], $0xffff;
	v15 =	vadd.s32 s31, v0;
	v27 =	vadd.s32 v8, v14;
	v63 =	vunpack.i.l.bf16.f32 v62;
	[tilespmem:v35+s18+$0x0] =	vst.idx.msk $0xffff, v30  }
0x8d: {  	s24 =	simm.s32 $0x8;
	v24 =	vld.idx.msk [tilespmem:v36+s2+$0x0], $0xffff;
	v30 =	vunpack.i.u.bf16.f32 v62;
	v16 =	vand.u32 $0x3F, v15;
	[tilespmem:v31+s18+$0x0] =	vst.idx.msk $0xffff, v63;
	v29 =	vmax.bf16 v29, v3  }
.LBB2_7:
0x8e: {  	p1 =	slt.u32 s24, $0x3C;
	v18 =	vadd.bf16 v21, v18;
	v21 =	vadd.s32 v7, v16;
	v31 =	vunpack.i.l.bf16.f32 v29;
	[tilespmem:v19+s18+$0x0] =	vst.idx.msk $0xffff, v30  }
0x8f: {  	v19 =	vadd.s32 v8, v16;
	v29 =	vunpack.i.u.bf16.f32 v29;
	v17 =	vld.idx.msk [tilespmem:v17+s2+$0x0], $0xffff;
	[tilespmem:v22+s18+$0x0] =	vst.idx.msk $0xffff, v31  }
0x90: {  	v22 =	vadd.s32 s24, v0;
	v26 =	vld.idx.msk [tilespmem:v26+s2+$0x0], $0xffff;
	[tilespmem:v23+s18+$0x0] =	vst.idx.msk $0xffff, v29  }
0x91: {  	v23 =	vand.u32 $0x3F, v22;
	v18 =	vadd.bf16 v25, v18;
	v25 =	vadd.s32 v6, v16;
	v20 =	vld.idx.msk [tilespmem:v20+s2+$0x0], $0xffff  }
0x92: {  	v30 =	vor.u32 v4, v13;
	v31 =	vor.u32 v11, v5;
	v29 =	vadd.s32 v7, v23;
	v27 =	vld.idx.msk [tilespmem:v27+s2+$0x0], $0xffff  }
0x93: {  	s25 =	sadd.s32 $0x3, s24;
	v32 =	vadd.s32 v8, v23;
	v18 =	vmax.bf16 v18, v3;
	v33 =	vld.idx.msk [tilespmem:v21+s2+$0x0], $0xffff;
	v21 =	vadd.bf16 v28, v24  }
0x94: {  	v11 =	vmovc v22;
	v13 =	vmovc v23;
	v24 =	vadd.s32 v6, v23;
	v28 =	vadd.s32 s25, v0;
	v34 =	vunpack.i.u.bf16.f32 v18;
	v35 =	vld.idx.msk [tilespmem:v19+s2+$0x0], $0xffff  }
0x95: {  	v22 =	vor.u32 v4, v10;
	v10 =	vand.u32 $0x3F, v28;
	v19 =	vadd.bf16 v17, v21  }
0x96: {  	v37 =	vor.u32 v9, v5;
	v23 =	vunpack.i.l.bf16.f32 v18;
	v9 =	vmovc v28;
	v17 =	vadd.s32 v6, v10;
	v36 =	vld.idx.msk [tilespmem:v25+s2+$0x0], $0xffff  }
0x97: {  	v28 =	vadd.s32 v7, v10;
	v18 =	vld.idx.msk [tilespmem:v29+s2+$0x0], $0xffff;
	v29 =	vadd.s32 v8, v10;
	v19 =	vmax.bf16 v19, v3  }
0x98: {  	s25 =	sadd.s32 $0x2, s24;
	v20 =	vadd.bf16 v27, v20;
	v21 =	vld.idx.msk [tilespmem:v32+s2+$0x0], $0xffff;
	[tilespmem:v30+s18+$0x0] =	vst.idx.msk $0xffff, v23;
	v30 =	vunpack.i.u.bf16.f32 v19;
	v23 =	vunpack.i.l.bf16.f32 v19  }
0x99: {  	v19 =	vor.u32 v12, v5;
	v12 =	vadd.s32 s25, v0;
	[tilespmem:v31+s18+$0x0] =	vst.idx.msk $0xffff, v34;
	v31 =	vor.u32 v4, v14  }
.Ltmp2:
0x9a: {  	v14 =	vand.u32 $0x3F, v12;
	v27 =	vadd.bf16 v35, v33;
	v32 =	vadd.bf16 v26, v20;
	[tilespmem:v22+s18+$0x0] =	vst.idx.msk $0xffff, v23;
	(pc) =	sbr.rel @p1 .LBB2_7-.Ltmp2, $4  }
0x9b: {  	v20 =	vadd.s32 v7, v14;
	v26 =	vadd.s32 v6, v14;
	v22 =	vor.u32 v4, v16  }
0x9c: {  	s25 =	sadd.s32 $0x1, s24;
	v23 =	vor.u32 v15, v5;
	v33 =	vadd.bf16 v36, v27;
	v32 =	vmax.bf16 v32, v3;
	v25 =	vld.idx.msk [tilespmem:v24+s2+$0x0], $0xffff  }
0x9d: {  	v15 =	vadd.s32 s25, v0;
	v27 =	vadd.s32 v8, v14;
	v34 =	vunpack.i.l.bf16.f32 v32;
	v24 =	vld.idx.msk [tilespmem:v28+s2+$0x0], $0xffff;
	[tilespmem:v37+s18+$0x0] =	vst.idx.msk $0xffff, v30  }
0x9e: {  	s24 =	sadd.s32 $0x4, s24;
	v16 =	vand.u32 $0x3F, v15;
	v30 =	vunpack.i.u.bf16.f32 v32;
	v28 =	vld.idx.msk [tilespmem:v29+s2+$0x0], $0xffff;
	v29 =	vmax.bf16 v33, v3;
	[tilespmem:v31+s18+$0x0] =	vst.idx.msk $0xffff, v34  }
0x9f: {  	_ =	sdelay $0x2  }
0xa0: {  	v7 =	vadd.s32 v7, v16  }
0xa1: {  	v8 =	vadd.s32 v8, v16;
	v17 =	vld.idx.msk [tilespmem:v17+s2+$0x0], $0xffff  }
0xa2: {  	v26 =	vld.idx.msk [tilespmem:v26+s2+$0x0], $0xffff  }
0xa3: {  	v6 =	vadd.s32 v6, v16;
	v20 =	vld.idx.msk [tilespmem:v20+s2+$0x0], $0xffff  }
0xa4: {  	v18 =	vadd.bf16 v21, v18;
	v54 =	vld.idx.msk [tilespmem:v27+s2+$0x0], $0xffff  }
0xa5: {  	v13 =	vor.u32 v4, v13;
	v7 =	vld.idx.msk [tilespmem:v7+s2+$0x0], $0xffff  }
0xa6: {  	v53 =	vunpack.i.l.bf16.f32 v29;
	v11 =	vor.u32 v11, v5;
	v18 =	vadd.bf16 v25, v18;
	v8 =	vld.idx.msk [tilespmem:v8+s2+$0x0], $0xffff  }
0xa7: {  	[tilespmem:v19+s18+$0x0] =	vst.idx.msk $0xffff, v30;
	v55 =	vunpack.i.u.bf16.f32 v29;
	v10 =	vor.u32 v4, v10;
	v24 =	vadd.bf16 v28, v24  }
0xa8: {  	v9 =	vor.u32 v9, v5;
	[tilespmem:v22+s18+$0x0] =	vst.idx.msk $0xffff, v53;
	v18 =	vmax.bf16 v18, v3;
	v6 =	vld.idx.msk [tilespmem:v6+s2+$0x0], $0xffff  }
0xa9: {  	[tilespmem:v23+s18+$0x0] =	vst.idx.msk $0xffff, v55;
	v56 =	vunpack.i.l.bf16.f32 v18;
	v57 =	vadd.bf16 v54, v20;
	v17 =	vadd.bf16 v17, v24  }
0xaa: {  	v59 =	vor.u32 v4, v14;
	v12 =	vor.u32 v12, v5;
	v18 =	vunpack.i.u.bf16.f32 v18;
	[tilespmem:v13+s18+$0x0] =	vst.idx.msk $0xffff, v56  }
0xab: {  	v60 =	vadd.bf16 v26, v57;
	v17 =	vmax.bf16 v17, v3;
	v7 =	vadd.bf16 v8, v7  }
0xac: {  	v4 =	vor.u32 v4, v16;
	v5 =	vor.u32 v15, v5;
	s23 =	sadd.s32 $0x1, s23;
	[tilespmem:v11+s18+$0x0] =	vst.idx.msk $0xffff, v18;
	v58 =	vunpack.i.l.bf16.f32 v17  }
0xad: {  	p1 =	sne.s32 s23, $0x8;
	v61 =	vunpack.i.u.bf16.f32 v17;
	v62 =	vmax.bf16 v60, v3;
	[tilespmem:v10+s18+$0x0] =	vst.idx.msk $0xffff, v58;
	v6 =	vadd.bf16 v6, v7  }
.Ltmp3:
0xae: {  	v8 =	vunpack.i.l.bf16.f32 v62;
	[tilespmem:v9+s18+$0x0] =	vst.idx.msk $0xffff, v61;
	(pc) =	sbr.rel @p1 .LBB2_6-.Ltmp3, $4  }
0xaf: {  	[tilespmem:v59+s18+$0x0] =	vst.idx.msk $0xffff, v8;
	v7 =	vunpack.i.u.bf16.f32 v62;
	v6 =	vmax.bf16 v6, v3  }
0xb0: {  	[tilespmem:v12+s18+$0x0] =	vst.idx.msk $0xffff, v7;
	v63 =	vunpack.i.l.bf16.f32 v6  }
0xb1: {  	v6 =	vunpack.i.u.bf16.f32 v6;
	[tilespmem:v4+s18+$0x0] =	vst.idx.msk $0xffff, v63  }
0xb2: {  	[tilespmem:v5+s18+$0x0] =	vst.idx.msk $0xffff, v6  }
0xb3: {  	s22 =	simm.s32 $0x0  }
0xb4: {  	[hbm4b:s8+s22] =	stream.linear.scatter [tilespmem:s18], [sflag:$0x2], $0x4000, $0x38;
	[tilespmem:$0x16300] =	vst v63  }
0xb5: {  	_ =	swait.ge [sflag:s19], $0x4000  }
0xb6: {  	[sflag:s19] =	ssyncset.done $0x0  }
0xb7: {  	s23 =	simm.s32 $0x0;
	[sflag:s19] =	ssyncadd.s32 $0xFFFFC000  }
.LBB2_10:
0xb8: {  	s24 =	sshll.u32 s23, $0x4  }
0xb9: {  	v7 =	vld [tilespmem:s24+$0xDE00]  }
0xba: {  	v8 =	vld [tilespmem:s24+$0xE000]  }
0xbb: {  	v6 =	vld [tilespmem:s24+$0xE200]  }
0xbc: {  	v9 =	vadd.s32 s22, v0  }
0xbd: {  	v10 =	vand.u32 $0x3F, v9  }
0xbe: {  	s31 =	simm.s32 $0x3;
	v4 =	vadd.s32 v7, v10  }
0xbf: {  	s25 =	simm.s32 $0x2;
	v12 =	vadd.s32 s31, v0;
	v5 =	vadd.s32 v8, v10  }
0xc0: {  	v16 =	vadd.s32 s25, v0;
	v14 =	vand.u32 $0x3F, v12;
	v11 =	vadd.s32 v6, v10  }
0xc1: {  	v19 =	vand.u32 $0x3F, v16;
	v13 =	vadd.s32 v7, v14  }
0xc2: {  	v18 =	vadd.s32 v6, v19  }
0xc3: {  	v15 =	vld.idx.msk [tilespmem:v4+s2+$0x0], $0xffff;
	v4 =	vadd.s32 v8, v14  }
0xc4: {  	s26 =	simm.s32 $0x1;
	v17 =	vadd.s32 v6, v14;
	v5 =	vld.idx.msk [tilespmem:v5+s2+$0x0], $0xffff  }
0xc5: {  	v23 =	vadd.s32 s26, v0;
	v24 =	vadd.s32 v8, v19;
	v20 =	vld.idx.msk [tilespmem:v11+s2+$0x0], $0xffff  }
0xc6: {  	s25 =	simm.s32 $0x4;
	v25 =	vand.u32 $0x3F, v23;
	v21 =	vadd.s32 v7, v19;
	v22 =	vld.idx.msk [tilespmem:v13+s2+$0x0], $0xffff  }
0xc7: {  	v27 =	vadd.s32 v7, v25;
	v11 =	vadd.s32 s25, v0;
	v29 =	vld.idx.msk [tilespmem:v18+s2+$0x0], $0xffff  }
0xc8: {  	s28 =	sshll.u32 s23, $0xB;
	v28 =	vadd.s32 v8, v25;
	v18 =	vadd.s32 v6, v25;
	v13 =	vand.u32 $0x3F, v11;
	v26 =	vld.idx.msk [tilespmem:v4+s2+$0x0], $0xffff  }
0xc9: {  	v17 =	vld.idx.msk [tilespmem:v17+s2+$0x0], $0xffff;
	v4 =	vor.u32 s28, v1;
	v15 =	vadd.bf16 v5, v15;
	v5 =	vor.u32 s28, v2  }
0xca: {  	s29 =	simm.s32 $0x7;
	v24 =	vld.idx.msk [tilespmem:v24+s2+$0x0], $0xffff;
	v32 =	vadd.s32 v8, v13;
	v30 =	vor.u32 v4, v10;
	v31 =	vor.u32 v9, v5  }
0xcb: {  	v9 =	vadd.s32 s29, v0;
	v34 =	vor.u32 v4, v14;
	v15 =	vadd.bf16 v20, v15;
	v20 =	vld.idx.msk [tilespmem:v21+s2+$0x0], $0xffff  }
0xcc: {  	v35 =	vor.u32 v12, v5;
	v23 =	vor.u32 v23, v5;
	v10 =	vand.u32 $0x3F, v9  }
0xcd: {  	v28 =	vld.idx.msk [tilespmem:v28+s2+$0x0], $0xffff;
	v21 =	vadd.s32 v7, v13;
	v36 =	vadd.s32 v7, v10;
	v22 =	vadd.bf16 v26, v22  }
0xce: {  	v37 =	vadd.s32 v8, v10;
	v15 =	vmax.bf16 v15, v3;
	v26 =	vld.idx.msk [tilespmem:v27+s2+$0x0], $0xffff;
	v27 =	vadd.s32 v6, v13  }
0xcf: {  	v33 =	vunpack.i.u.bf16.f32 v15;
	v14 =	vunpack.i.l.bf16.f32 v15;
	v22 =	vadd.bf16 v17, v22  }
0xd0: {  	v15 =	vld.idx.msk [tilespmem:v18+s2+$0x0], $0xffff;
	[tilespmem:v30+s17+$0x0] =	vst.idx.msk $0xffff, v14;
	v17 =	vadd.s32 v6, v10;
	v20 =	vadd.bf16 v24, v20  }
0xd1: {  	[tilespmem:v31+s17+$0x0] =	vst.idx.msk $0xffff, v33;
	v31 =	vor.u32 v4, v19;
	v12 =	vmax.bf16 v22, v3  }
0xd2: {  	s30 =	simm.s32 $0x6;
	v18 =	vld.idx.msk [tilespmem:v21+s2+$0x0], $0xffff;
	v19 =	vor.u32 v16, v5;
	v24 =	vadd.bf16 v29, v20;
	v21 =	vunpack.i.l.bf16.f32 v12  }
0xd3: {  	v30 =	vunpack.i.u.bf16.f32 v12;
	v12 =	vadd.s32 s30, v0;
	v16 =	vadd.bf16 v28, v26;
	[tilespmem:v34+s17+$0x0] =	vst.idx.msk $0xffff, v21;
	v21 =	vld.idx.msk [tilespmem:v32+s2+$0x0], $0xffff  }
0xd4: {  	v22 =	vor.u32 v4, v25;
	v14 =	vand.u32 $0x3F, v12;
	v62 =	vmax.bf16 v24, v3  }
0xd5: {  	s31 =	simm.s32 $0x5;
	v25 =	vld.idx.msk [tilespmem:v27+s2+$0x0], $0xffff;
	v20 =	vadd.s32 v7, v14;
	v26 =	vadd.s32 v6, v14;
	v29 =	vadd.bf16 v15, v16  }
0xd6: {  	v28 =	vld.idx.msk [tilespmem:v37+s2+$0x0], $0xffff;
	v15 =	vadd.s32 s31, v0;
	v27 =	vadd.s32 v8, v14;
	v63 =	vunpack.i.l.bf16.f32 v62;
	[tilespmem:v35+s17+$0x0] =	vst.idx.msk $0xffff, v30  }
0xd7: {  	s24 =	simm.s32 $0x8;
	v24 =	vld.idx.msk [tilespmem:v36+s2+$0x0], $0xffff;
	v30 =	vunpack.i.u.bf16.f32 v62;
	v16 =	vand.u32 $0x3F, v15;
	[tilespmem:v31+s17+$0x0] =	vst.idx.msk $0xffff, v63;
	v29 =	vmax.bf16 v29, v3  }
.LBB2_11:
0xd8: {  	p1 =	slt.u32 s24, $0x3C;
	v18 =	vadd.bf16 v21, v18;
	v21 =	vadd.s32 v7, v16;
	v31 =	vunpack.i.l.bf16.f32 v29;
	[tilespmem:v19+s17+$0x0] =	vst.idx.msk $0xffff, v30  }
0xd9: {  	v19 =	vadd.s32 v8, v16;
	v29 =	vunpack.i.u.bf16.f32 v29;
	v17 =	vld.idx.msk [tilespmem:v17+s2+$0x0], $0xffff;
	[tilespmem:v22+s17+$0x0] =	vst.idx.msk $0xffff, v31  }
0xda: {  	v22 =	vadd.s32 s24, v0;
	v26 =	vld.idx.msk [tilespmem:v26+s2+$0x0], $0xffff;
	[tilespmem:v23+s17+$0x0] =	vst.idx.msk $0xffff, v29  }
0xdb: {  	v23 =	vand.u32 $0x3F, v22;
	v18 =	vadd.bf16 v25, v18;
	v25 =	vadd.s32 v6, v16;
	v20 =	vld.idx.msk [tilespmem:v20+s2+$0x0], $0xffff  }
0xdc: {  	v30 =	vor.u32 v4, v13;
	v31 =	vor.u32 v11, v5;
	v29 =	vadd.s32 v7, v23;
	v27 =	vld.idx.msk [tilespmem:v27+s2+$0x0], $0xffff  }
0xdd: {  	s25 =	sadd.s32 $0x3, s24;
	v32 =	vadd.s32 v8, v23;
	v18 =	vmax.bf16 v18, v3;
	v33 =	vld.idx.msk [tilespmem:v21+s2+$0x0], $0xffff;
	v21 =	vadd.bf16 v28, v24  }
0xde: {  	v11 =	vmovc v22;
	v13 =	vmovc v23;
	v24 =	vadd.s32 v6, v23;
	v28 =	vadd.s32 s25, v0;
	v34 =	vunpack.i.u.bf16.f32 v18;
	v35 =	vld.idx.msk [tilespmem:v19+s2+$0x0], $0xffff  }
0xdf: {  	v22 =	vor.u32 v4, v10;
	v10 =	vand.u32 $0x3F, v28;
	v19 =	vadd.bf16 v17, v21  }
0xe0: {  	v37 =	vor.u32 v9, v5;
	v23 =	vunpack.i.l.bf16.f32 v18;
	v9 =	vmovc v28;
	v17 =	vadd.s32 v6, v10;
	v36 =	vld.idx.msk [tilespmem:v25+s2+$0x0], $0xffff  }
0xe1: {  	v28 =	vadd.s32 v7, v10;
	v18 =	vld.idx.msk [tilespmem:v29+s2+$0x0], $0xffff;
	v29 =	vadd.s32 v8, v10;
	v19 =	vmax.bf16 v19, v3  }
0xe2: {  	s25 =	sadd.s32 $0x2, s24;
	v20 =	vadd.bf16 v27, v20;
	v21 =	vld.idx.msk [tilespmem:v32+s2+$0x0], $0xffff;
	[tilespmem:v30+s17+$0x0] =	vst.idx.msk $0xffff, v23;
	v30 =	vunpack.i.u.bf16.f32 v19;
	v23 =	vunpack.i.l.bf16.f32 v19  }
0xe3: {  	v19 =	vor.u32 v12, v5;
	v12 =	vadd.s32 s25, v0;
	[tilespmem:v31+s17+$0x0] =	vst.idx.msk $0xffff, v34;
	v31 =	vor.u32 v4, v14  }
.Ltmp4:
0xe4: {  	v14 =	vand.u32 $0x3F, v12;
	v27 =	vadd.bf16 v35, v33;
	v32 =	vadd.bf16 v26, v20;
	[tilespmem:v22+s17+$0x0] =	vst.idx.msk $0xffff, v23;
	(pc) =	sbr.rel @p1 .LBB2_11-.Ltmp4, $4  }
0xe5: {  	v20 =	vadd.s32 v7, v14;
	v26 =	vadd.s32 v6, v14;
	v22 =	vor.u32 v4, v16  }
0xe6: {  	s25 =	sadd.s32 $0x1, s24;
	v23 =	vor.u32 v15, v5;
	v33 =	vadd.bf16 v36, v27;
	v32 =	vmax.bf16 v32, v3;
	v25 =	vld.idx.msk [tilespmem:v24+s2+$0x0], $0xffff  }
0xe7: {  	v15 =	vadd.s32 s25, v0;
	v27 =	vadd.s32 v8, v14;
	v34 =	vunpack.i.l.bf16.f32 v32;
	v24 =	vld.idx.msk [tilespmem:v28+s2+$0x0], $0xffff;
	[tilespmem:v37+s17+$0x0] =	vst.idx.msk $0xffff, v30  }
0xe8: {  	s24 =	sadd.s32 $0x4, s24;
	v16 =	vand.u32 $0x3F, v15;
	v30 =	vunpack.i.u.bf16.f32 v32;
	v28 =	vld.idx.msk [tilespmem:v29+s2+$0x0], $0xffff;
	v29 =	vmax.bf16 v33, v3;
	[tilespmem:v31+s17+$0x0] =	vst.idx.msk $0xffff, v34  }
0xe9: {  	_ =	sdelay $0x2  }
0xea: {  	v7 =	vadd.s32 v7, v16  }
0xeb: {  	v8 =	vadd.s32 v8, v16;
	v17 =	vld.idx.msk [tilespmem:v17+s2+$0x0], $0xffff  }
0xec: {  	v26 =	vld.idx.msk [tilespmem:v26+s2+$0x0], $0xffff  }
0xed: {  	v6 =	vadd.s32 v6, v16;
	v20 =	vld.idx.msk [tilespmem:v20+s2+$0x0], $0xffff  }
0xee: {  	v18 =	vadd.bf16 v21, v18;
	v54 =	vld.idx.msk [tilespmem:v27+s2+$0x0], $0xffff  }
0xef: {  	v13 =	vor.u32 v4, v13;
	v7 =	vld.idx.msk [tilespmem:v7+s2+$0x0], $0xffff  }
0xf0: {  	v53 =	vunpack.i.l.bf16.f32 v29;
	v11 =	vor.u32 v11, v5;
	v18 =	vadd.bf16 v25, v18;
	v8 =	vld.idx.msk [tilespmem:v8+s2+$0x0], $0xffff  }
0xf1: {  	[tilespmem:v19+s17+$0x0] =	vst.idx.msk $0xffff, v30;
	v55 =	vunpack.i.u.bf16.f32 v29;
	v10 =	vor.u32 v4, v10;
	v24 =	vadd.bf16 v28, v24  }
0xf2: {  	v9 =	vor.u32 v9, v5;
	[tilespmem:v22+s17+$0x0] =	vst.idx.msk $0xffff, v53;
	v18 =	vmax.bf16 v18, v3;
	v6 =	vld.idx.msk [tilespmem:v6+s2+$0x0], $0xffff  }
0xf3: {  	[tilespmem:v23+s17+$0x0] =	vst.idx.msk $0xffff, v55;
	v56 =	vunpack.i.l.bf16.f32 v18;
	v57 =	vadd.bf16 v54, v20;
	v17 =	vadd.bf16 v17, v24  }
0xf4: {  	v59 =	vor.u32 v4, v14;
	v12 =	vor.u32 v12, v5;
	v18 =	vunpack.i.u.bf16.f32 v18;
	[tilespmem:v13+s17+$0x0] =	vst.idx.msk $0xffff, v56  }
0xf5: {  	v60 =	vadd.bf16 v26, v57;
	v17 =	vmax.bf16 v17, v3;
	v7 =	vadd.bf16 v8, v7  }
0xf6: {  	v4 =	vor.u32 v4, v16;
	v5 =	vor.u32 v15, v5;
	s23 =	sadd.s32 $0x1, s23;
	[tilespmem:v11+s17+$0x0] =	vst.idx.msk $0xffff, v18;
	v58 =	vunpack.i.l.bf16.f32 v17  }
0xf7: {  	p1 =	sne.s32 s23, $0x8;
	v61 =	vunpack.i.u.bf16.f32 v17;
	v62 =	vmax.bf16 v60, v3;
	[tilespmem:v10+s17+$0x0] =	vst.idx.msk $0xffff, v58;
	v6 =	vadd.bf16 v6, v7  }
.Ltmp5:
0xf8: {  	v8 =	vunpack.i.l.bf16.f32 v62;
	[tilespmem:v9+s17+$0x0] =	vst.idx.msk $0xffff, v61;
	(pc) =	sbr.rel @p1 .LBB2_10-.Ltmp5, $4  }
0xf9: {  	[tilespmem:v59+s17+$0x0] =	vst.idx.msk $0xffff, v8;
	v7 =	vunpack.i.u.bf16.f32 v62;
	v6 =	vmax.bf16 v6, v3  }
0xfa: {  	[tilespmem:v12+s17+$0x0] =	vst.idx.msk $0xffff, v7;
	v63 =	vunpack.i.l.bf16.f32 v6  }
0xfb: {  	v6 =	vunpack.i.u.bf16.f32 v6;
	[tilespmem:v4+s17+$0x0] =	vst.idx.msk $0xffff, v63  }
0xfc: {  	[tilespmem:v5+s17+$0x0] =	vst.idx.msk $0xffff, v6  }
0xfd: {  	s22 =	simm.s32 $0x0  }
0xfe: {  	[hbm4b:s9+s22] =	stream.linear.scatter [tilespmem:s17], [sflag:$0x1], $0x4000, $0x38;
	[tilespmem:$0x16300] =	vst v63  }
0xff: {  	_ =	swait.ge [sflag:s20], $0x4000  }
0x100: {  	[sflag:s20] =	ssyncset.done $0x0  }
0x101: {  	s23 =	simm.s32 $0x0;
	[sflag:s20] =	ssyncadd.s32 $0xFFFFC000  }
.LBB2_14:
0x102: {  	s24 =	sshll.u32 s23, $0x4  }
0x103: {  	v7 =	vld [tilespmem:s24+$0xDE80]  }
0x104: {  	v8 =	vld [tilespmem:s24+$0xE080]  }
0x105: {  	v6 =	vld [tilespmem:s24+$0xE280]  }
0x106: {  	v9 =	vadd.s32 s22, v0  }
0x107: {  	v10 =	vand.u32 $0x3F, v9  }
0x108: {  	s31 =	simm.s32 $0x3;
	v4 =	vadd.s32 v7, v10  }
0x109: {  	s25 =	simm.s32 $0x2;
	v12 =	vadd.s32 s31, v0;
	v5 =	vadd.s32 v8, v10  }
0x10a: {  	v16 =	vadd.s32 s25, v0;
	v14 =	vand.u32 $0x3F, v12;
	v11 =	vadd.s32 v6, v10  }
0x10b: {  	v19 =	vand.u32 $0x3F, v16;
	v13 =	vadd.s32 v7, v14  }
0x10c: {  	v18 =	vadd.s32 v6, v19  }
0x10d: {  	v15 =	vld.idx.msk [tilespmem:v4+s2+$0x0], $0xffff;
	v4 =	vadd.s32 v8, v14  }
0x10e: {  	s26 =	simm.s32 $0x1;
	v17 =	vadd.s32 v6, v14;
	v5 =	vld.idx.msk [tilespmem:v5+s2+$0x0], $0xffff  }
0x10f: {  	v23 =	vadd.s32 s26, v0;
	v24 =	vadd.s32 v8, v19;
	v20 =	vld.idx.msk [tilespmem:v11+s2+$0x0], $0xffff  }
0x110: {  	s25 =	simm.s32 $0x4;
	v25 =	vand.u32 $0x3F, v23;
	v21 =	vadd.s32 v7, v19;
	v22 =	vld.idx.msk [tilespmem:v13+s2+$0x0], $0xffff  }
0x111: {  	v27 =	vadd.s32 v7, v25;
	v11 =	vadd.s32 s25, v0;
	v29 =	vld.idx.msk [tilespmem:v18+s2+$0x0], $0xffff  }
0x112: {  	s28 =	sshll.u32 s23, $0xB;
	v28 =	vadd.s32 v8, v25;
	v18 =	vadd.s32 v6, v25;
	v13 =	vand.u32 $0x3F, v11;
	v26 =	vld.idx.msk [tilespmem:v4+s2+$0x0], $0xffff  }
0x113: {  	v17 =	vld.idx.msk [tilespmem:v17+s2+$0x0], $0xffff;
	v4 =	vor.u32 s28, v1;
	v15 =	vadd.bf16 v5, v15;
	v5 =	vor.u32 s28, v2  }
0x114: {  	s29 =	simm.s32 $0x7;
	v24 =	vld.idx.msk [tilespmem:v24+s2+$0x0], $0xffff;
	v32 =	vadd.s32 v8, v13;
	v30 =	vor.u32 v4, v10;
	v31 =	vor.u32 v9, v5  }
0x115: {  	v9 =	vadd.s32 s29, v0;
	v34 =	vor.u32 v4, v14;
	v15 =	vadd.bf16 v20, v15;
	v20 =	vld.idx.msk [tilespmem:v21+s2+$0x0], $0xffff  }
0x116: {  	v35 =	vor.u32 v12, v5;
	v23 =	vor.u32 v23, v5;
	v10 =	vand.u32 $0x3F, v9  }
0x117: {  	v28 =	vld.idx.msk [tilespmem:v28+s2+$0x0], $0xffff;
	v21 =	vadd.s32 v7, v13;
	v36 =	vadd.s32 v7, v10;
	v22 =	vadd.bf16 v26, v22  }
0x118: {  	v37 =	vadd.s32 v8, v10;
	v15 =	vmax.bf16 v15, v3;
	v26 =	vld.idx.msk [tilespmem:v27+s2+$0x0], $0xffff;
	v27 =	vadd.s32 v6, v13  }
0x119: {  	v33 =	vunpack.i.u.bf16.f32 v15;
	v14 =	vunpack.i.l.bf16.f32 v15;
	v22 =	vadd.bf16 v17, v22  }
0x11a: {  	v15 =	vld.idx.msk [tilespmem:v18+s2+$0x0], $0xffff;
	[tilespmem:v30+s18+$0x0] =	vst.idx.msk $0xffff, v14;
	v17 =	vadd.s32 v6, v10;
	v20 =	vadd.bf16 v24, v20  }
0x11b: {  	[tilespmem:v31+s18+$0x0] =	vst.idx.msk $0xffff, v33;
	v31 =	vor.u32 v4, v19;
	v12 =	vmax.bf16 v22, v3  }
0x11c: {  	s30 =	simm.s32 $0x6;
	v18 =	vld.idx.msk [tilespmem:v21+s2+$0x0], $0xffff;
	v19 =	vor.u32 v16, v5;
	v24 =	vadd.bf16 v29, v20;
	v21 =	vunpack.i.l.bf16.f32 v12  }
0x11d: {  	v30 =	vunpack.i.u.bf16.f32 v12;
	v12 =	vadd.s32 s30, v0;
	v16 =	vadd.bf16 v28, v26;
	[tilespmem:v34+s18+$0x0] =	vst.idx.msk $0xffff, v21;
	v21 =	vld.idx.msk [tilespmem:v32+s2+$0x0], $0xffff  }
0x11e: {  	v22 =	vor.u32 v4, v25;
	v14 =	vand.u32 $0x3F, v12;
	v62 =	vmax.bf16 v24, v3  }
0x11f: {  	s31 =	simm.s32 $0x5;
	v25 =	vld.idx.msk [tilespmem:v27+s2+$0x0], $0xffff;
	v20 =	vadd.s32 v7, v14;
	v26 =	vadd.s32 v6, v14;
	v29 =	vadd.bf16 v15, v16  }
0x120: {  	v28 =	vld.idx.msk [tilespmem:v37+s2+$0x0], $0xffff;
	v15 =	vadd.s32 s31, v0;
	v27 =	vadd.s32 v8, v14;
	v63 =	vunpack.i.l.bf16.f32 v62;
	[tilespmem:v35+s18+$0x0] =	vst.idx.msk $0xffff, v30  }
0x121: {  	s24 =	simm.s32 $0x8;
	v24 =	vld.idx.msk [tilespmem:v36+s2+$0x0], $0xffff;
	v30 =	vunpack.i.u.bf16.f32 v62;
	v16 =	vand.u32 $0x3F, v15;
	[tilespmem:v31+s18+$0x0] =	vst.idx.msk $0xffff, v63;
	v29 =	vmax.bf16 v29, v3  }
.LBB2_15:
0x122: {  	p1 =	slt.u32 s24, $0x3C;
	v18 =	vadd.bf16 v21, v18;
	v21 =	vadd.s32 v7, v16;
	v31 =	vunpack.i.l.bf16.f32 v29;
	[tilespmem:v19+s18+$0x0] =	vst.idx.msk $0xffff, v30  }
0x123: {  	v19 =	vadd.s32 v8, v16;
	v29 =	vunpack.i.u.bf16.f32 v29;
	v17 =	vld.idx.msk [tilespmem:v17+s2+$0x0], $0xffff;
	[tilespmem:v22+s18+$0x0] =	vst.idx.msk $0xffff, v31  }
0x124: {  	v22 =	vadd.s32 s24, v0;
	v26 =	vld.idx.msk [tilespmem:v26+s2+$0x0], $0xffff;
	[tilespmem:v23+s18+$0x0] =	vst.idx.msk $0xffff, v29  }
0x125: {  	v23 =	vand.u32 $0x3F, v22;
	v18 =	vadd.bf16 v25, v18;
	v25 =	vadd.s32 v6, v16;
	v20 =	vld.idx.msk [tilespmem:v20+s2+$0x0], $0xffff  }
0x126: {  	v30 =	vor.u32 v4, v13;
	v31 =	vor.u32 v11, v5;
	v29 =	vadd.s32 v7, v23;
	v27 =	vld.idx.msk [tilespmem:v27+s2+$0x0], $0xffff  }
0x127: {  	s25 =	sadd.s32 $0x3, s24;
	v32 =	vadd.s32 v8, v23;
	v18 =	vmax.bf16 v18, v3;
	v33 =	vld.idx.msk [tilespmem:v21+s2+$0x0], $0xffff;
	v21 =	vadd.bf16 v28, v24  }
0x128: {  	v11 =	vmovc v22;
	v13 =	vmovc v23;
	v24 =	vadd.s32 v6, v23;
	v28 =	vadd.s32 s25, v0;
	v34 =	vunpack.i.u.bf16.f32 v18;
	v35 =	vld.idx.msk [tilespmem:v19+s2+$0x0], $0xffff  }
0x129: {  	v22 =	vor.u32 v4, v10;
	v10 =	vand.u32 $0x3F, v28;
	v19 =	vadd.bf16 v17, v21  }
0x12a: {  	v37 =	vor.u32 v9, v5;
	v23 =	vunpack.i.l.bf16.f32 v18;
	v9 =	vmovc v28;
	v17 =	vadd.s32 v6, v10;
	v36 =	vld.idx.msk [tilespmem:v25+s2+$0x0], $0xffff  }
0x12b: {  	v28 =	vadd.s32 v7, v10;
	v18 =	vld.idx.msk [tilespmem:v29+s2+$0x0], $0xffff;
	v29 =	vadd.s32 v8, v10;
	v19 =	vmax.bf16 v19, v3  }
0x12c: {  	s25 =	sadd.s32 $0x2, s24;
	v20 =	vadd.bf16 v27, v20;
	v21 =	vld.idx.msk [tilespmem:v32+s2+$0x0], $0xffff;
	[tilespmem:v30+s18+$0x0] =	vst.idx.msk $0xffff, v23;
	v30 =	vunpack.i.u.bf16.f32 v19;
	v23 =	vunpack.i.l.bf16.f32 v19  }
0x12d: {  	v19 =	vor.u32 v12, v5;
	v12 =	vadd.s32 s25, v0;
	[tilespmem:v31+s18+$0x0] =	vst.idx.msk $0xffff, v34;
	v31 =	vor.u32 v4, v14  }
.Ltmp6:
0x12e: {  	v14 =	vand.u32 $0x3F, v12;
	v27 =	vadd.bf16 v35, v33;
	v32 =	vadd.bf16 v26, v20;
	[tilespmem:v22+s18+$0x0] =	vst.idx.msk $0xffff, v23;
	(pc) =	sbr.rel @p1 .LBB2_15-.Ltmp6, $4  }
0x12f: {  	v20 =	vadd.s32 v7, v14;
	v26 =	vadd.s32 v6, v14;
	v22 =	vor.u32 v4, v16  }
0x130: {  	s25 =	sadd.s32 $0x1, s24;
	v23 =	vor.u32 v15, v5;
	v33 =	vadd.bf16 v36, v27;
	v32 =	vmax.bf16 v32, v3;
	v25 =	vld.idx.msk [tilespmem:v24+s2+$0x0], $0xffff  }
0x131: {  	v15 =	vadd.s32 s25, v0;
	v27 =	vadd.s32 v8, v14;
	v34 =	vunpack.i.l.bf16.f32 v32;
	v24 =	vld.idx.msk [tilespmem:v28+s2+$0x0], $0xffff;
	[tilespmem:v37+s18+$0x0] =	vst.idx.msk $0xffff, v30  }
0x132: {  	s24 =	sadd.s32 $0x4, s24;
	v16 =	vand.u32 $0x3F, v15;
	v30 =	vunpack.i.u.bf16.f32 v32;
	v28 =	vld.idx.msk [tilespmem:v29+s2+$0x0], $0xffff;
	v29 =	vmax.bf16 v33, v3;
	[tilespmem:v31+s18+$0x0] =	vst.idx.msk $0xffff, v34  }
0x133: {  	_ =	sdelay $0x2  }
0x134: {  	v7 =	vadd.s32 v7, v16  }
0x135: {  	v8 =	vadd.s32 v8, v16;
	v17 =	vld.idx.msk [tilespmem:v17+s2+$0x0], $0xffff  }
0x136: {  	v26 =	vld.idx.msk [tilespmem:v26+s2+$0x0], $0xffff  }
0x137: {  	v6 =	vadd.s32 v6, v16;
	v20 =	vld.idx.msk [tilespmem:v20+s2+$0x0], $0xffff  }
0x138: {  	v18 =	vadd.bf16 v21, v18;
	v54 =	vld.idx.msk [tilespmem:v27+s2+$0x0], $0xffff  }
0x139: {  	v13 =	vor.u32 v4, v13;
	v7 =	vld.idx.msk [tilespmem:v7+s2+$0x0], $0xffff  }
0x13a: {  	v53 =	vunpack.i.l.bf16.f32 v29;
	v11 =	vor.u32 v11, v5;
	v18 =	vadd.bf16 v25, v18;
	v8 =	vld.idx.msk [tilespmem:v8+s2+$0x0], $0xffff  }
0x13b: {  	[tilespmem:v19+s18+$0x0] =	vst.idx.msk $0xffff, v30;
	v55 =	vunpack.i.u.bf16.f32 v29;
	v10 =	vor.u32 v4, v10;
	v24 =	vadd.bf16 v28, v24  }
0x13c: {  	v9 =	vor.u32 v9, v5;
	[tilespmem:v22+s18+$0x0] =	vst.idx.msk $0xffff, v53;
	v18 =	vmax.bf16 v18, v3;
	v6 =	vld.idx.msk [tilespmem:v6+s2+$0x0], $0xffff  }
0x13d: {  	[tilespmem:v23+s18+$0x0] =	vst.idx.msk $0xffff, v55;
	v56 =	vunpack.i.l.bf16.f32 v18;
	v57 =	vadd.bf16 v54, v20;
	v17 =	vadd.bf16 v17, v24  }
0x13e: {  	v59 =	vor.u32 v4, v14;
	v12 =	vor.u32 v12, v5;
	v18 =	vunpack.i.u.bf16.f32 v18;
	[tilespmem:v13+s18+$0x0] =	vst.idx.msk $0xffff, v56  }
0x13f: {  	v60 =	vadd.bf16 v26, v57;
	v17 =	vmax.bf16 v17, v3;
	v7 =	vadd.bf16 v8, v7  }
0x140: {  	v4 =	vor.u32 v4, v16;
	v5 =	vor.u32 v15, v5;
	s23 =	sadd.s32 $0x1, s23;
	[tilespmem:v11+s18+$0x0] =	vst.idx.msk $0xffff, v18;
	v58 =	vunpack.i.l.bf16.f32 v17  }
0x141: {  	p1 =	sne.s32 s23, $0x8;
	v61 =	vunpack.i.u.bf16.f32 v17;
	v62 =	vmax.bf16 v60, v3;
	[tilespmem:v10+s18+$0x0] =	vst.idx.msk $0xffff, v58;
	v6 =	vadd.bf16 v6, v7  }
.Ltmp7:
0x142: {  	v8 =	vunpack.i.l.bf16.f32 v62;
	[tilespmem:v9+s18+$0x0] =	vst.idx.msk $0xffff, v61;
	(pc) =	sbr.rel @p1 .LBB2_14-.Ltmp7, $4  }
0x143: {  	[tilespmem:v59+s18+$0x0] =	vst.idx.msk $0xffff, v8;
	v7 =	vunpack.i.u.bf16.f32 v62;
	v6 =	vmax.bf16 v6, v3  }
0x144: {  	[tilespmem:v12+s18+$0x0] =	vst.idx.msk $0xffff, v7;
	v63 =	vunpack.i.l.bf16.f32 v6  }
0x145: {  	v6 =	vunpack.i.u.bf16.f32 v6;
	[tilespmem:v4+s18+$0x0] =	vst.idx.msk $0xffff, v63  }
0x146: {  	[tilespmem:v5+s18+$0x0] =	vst.idx.msk $0xffff, v6  }
0x147: {  	[hbm4b:s10+s2] =	stream.linear.scatter [tilespmem:s18], [sflag:$0x2], $0x4000, $0x38;
	[tilespmem:$0x16300] =	vst v63  }
0x148: {  	s21 =	sadd.s32 $0x1, s21  }
0x149: {  	_ =	swait.ge [sflag:s19], $0x4000;
	p1 =	sne.s32 s21, s11  }
.Ltmp8:
0x14a: {  	[sflag:s19] =	ssyncset.done $0x0;
	(pc) =	sbr.rel @p1 .LBB2_1-.Ltmp8, $4  }
0x14b: {  	[sflag:s19] =	ssyncadd.s32 $0xFFFFC000  }
0x14c: {  	_ =	swait.ge [sflag:s20], $0x4000  }
0x14d: {  	[sflag:s20] =	ssyncset.done $0x0  }
0x14e: {  	[sflag:s20] =	ssyncadd.s32 $0xFFFFC000  }
0x14f: {  	_ =	sfence.sel $0x180000  }
0x150: {  	[bflag:$0x0] =	sbarrier.arrive $0xFFFF  }
0x151: {  	_ =	strace $0x90000047  }
0x152: {  	s0 =	sadd.s32 @!p0 $0x100000, s0;
	[bflag:$0x2] =	sbarrier.arrive $0xFFFF  }
0x153: {  	[sflag:s0] =	ssyncadd.tile.s32 @!p0 $0x1;
	_ =	shalt  }
.Lfunc_end2:
_tile_overlayer_lowered:
.L_overlay_start_2:
0x154: {  	(tag) =	ssettag $0x2  }
0x155: {  	s0 =	rddreg [dreg:$0x0];
	s2 =	stileid.u32  }
0x156: {  	s1 =	rddreg [dreg:$0x1];
	p0 =	sne.s32 s2, $0x0  }
0x157: {  	s3 =	rddreg [dreg:$0x2];
	[bflag:$0x3] =	sbarrier.arrive $0xFFFF;
	s2 =	simm.s32 @!p0 $0x1C03  }
0x158: {  	[timem:s3], [sflag:s2] =	dma.local @!p0 [hbm:s0], s1  }
0x159: {  	s0 =	simm.s32 @!p0 $0x3  }
0x15a: {  	_ =	swait.ge @!p0 [sflag:s0], s1  }
0x15b: {  	s1 =	ssub.s32 @!p0 $0x0, s1;
	[sflag:s0] =	ssyncset.done @!p0 $0x0  }
0x15c: {  	[sflag:s0] =	ssyncadd.s32 @!p0 s1  }
0x15d: {  	[bflag:$0x3] =	sbarrier.arrive $0xFFFF  }
0x15e: {  	_ =	shalt  }

</sc_bundles>
